<compile_context>
chip_gen: v7x
topology: tpu7x:2x2x1
jax: 0.10.2.dev20260603
libtpu: 0.0.44.dev20260713+nightly
codegen_flags: <defaults>
</compile_context>

<pallas_src>
import jax
import jax.numpy as jnp
from jax.experimental import pallas as pl
from jax.experimental.pallas import tpu as pltpu

_B, _R, _K = 64, 36, 16
_DQ, _DM, _MMF, _MMP, _MMC, _DC = 4800, 2048, 1200, 300, 32, 4
_G = 8
_H = 2
_GR = _G * _R
_GK = _G * _K


def _relu(x):
    return jnp.maximum(x, 0.0)


def _dot(a, b):
    return jnp.dot(a, b, preferred_element_type=jnp.float32)


def _dotg(a, b, dn):
    return jax.lax.dot_general(a, b, dn, preferred_element_type=jnp.float32)


def _qbranch_kernel(q_ref, wq_ref, bq_ref, out_ref):
    out_ref[...] = _relu(_dot(q_ref[...], wq_ref[...]) + bq_ref[...])


def _murel_kernel(a_ref, m_ref, c_ref,
                  wm_ref, bm_ref, wo_ref, bo_ref,
                  wf0_ref, bf0_ref, wf1_ref, bf1_ref, wfo_ref, bfo_ref,
                  wc0_ref, bc0_ref, wc1_ref, bc1_ref, wco_ref, bco_ref,
                  out_ref):
    m_rm = m_ref[...].reshape(_GR, _DM)

    g = _relu(_dot(m_rm, wm_ref[...]) + bm_ref[...])
    m = _relu(_dot(a_ref[...] * g, wo_ref[...]) + bo_ref[...])

    c_rm = c_ref[...]
    crit = jnp.sum(m * m, axis=1, keepdims=True)

    row_i = jax.lax.broadcasted_iota(jnp.int32, (_GR, _GR), 0)
    col_i = jax.lax.broadcasted_iota(jnp.int32, (_GR, _GR), 1)
    same = (row_i & (_G - 1)) == (col_i & (_G - 1))
    cb = jnp.transpose(crit)
    ahead = same & ((cb > crit) | ((cb == crit) & ((col_i >> 3) < (row_i >> 3))))
    rank = jnp.sum(ahead.astype(jnp.int32), axis=1, keepdims=True)

    ot_r = jax.lax.broadcasted_iota(jnp.int32, (_GR, _GK), 0)
    ot_c = jax.lax.broadcasted_iota(jnp.int32, (_GR, _GK), 1)
    OT = (((ot_r & (_G - 1)) == (ot_c & (_G - 1))) & (rank == (ot_c >> 3))
          ).astype(jnp.float32)

    gather_dn = (((0,), (0,)), ((), ()))
    mt = _dotg(OT, m, gather_dn)
    ct = _dotg(OT, c_rm, gather_dn)

    zi = _relu(_dot(mt, wf0_ref[...]) + bf0_ref[...])
    zj = _relu(_dot(mt, wf1_ref[...]) + bf1_ref[...])
    yi = _relu(_dot(ct, wc0_ref[...]) + bc0_ref[...])
    yj = _relu(_dot(ct, wc1_ref[...]) + bc1_ref[...])

    ks = _GK // _H
    nh = ks * _K

    es = []
    for h in range(_H):
        s0 = h * ks
        pr = jax.lax.broadcasted_iota(jnp.int32, (nh, _GK), 0)
        pc = jax.lax.broadcasted_iota(jnp.int32, (nh, _GK), 1)
        Si = (pc == s0 + (pr >> 4)).astype(jnp.float32)
        Sj = (pc == ((pr & 15) << 3) + (((pr >> 4) + s0) & (_G - 1))
              ).astype(jnp.float32)
        P = _dot(Si, zi) * _dot(Sj, zj)
        Pc = _dot(Si, yi) * _dot(Sj, yj)
        rij = _relu(_dot(P, wfo_ref[...]) + bfo_ref[...]) \
            + _relu(_dot(Pc, wco_ref[...]) + bco_ref[...])
        es.append(jnp.max(rij.reshape(ks, _K, _DM), axis=1))
    e = jnp.concatenate(es, axis=0)
    out = m + _dot(OT, e)
    out_ref[...] = out.reshape(_R, _G, _DM)


def kernel(q_expand, mm, coords,
           W_q0, b_q0, W_m1, b_m1, W_fo, b_fo,
           W_pf0, b_pf0, W_pf1, b_pf1, W_pfo, b_pfo,
           W_pc0, b_pc0, W_pc1, b_pc1, W_pco, b_pco):
    b, r, d = mm.shape
    mm_t = mm.transpose(1, 0, 2)
    coords_flat = coords.reshape(b * r, _DC)
    pos = jnp.arange(b * r, dtype=jnp.int32)
    grp, t = pos // _GR, pos % _GR
    src_idx = grp * _GR + (t & (_G - 1)) * _R + (t >> 3)

    def const(shape):
        nd = len(shape)
        return pl.BlockSpec(shape, lambda i: (0,) * nd)

    bm = 256
    a_all = pl.pallas_call(
        _qbranch_kernel,
        grid=(b * r // bm,),
        in_specs=[
            pl.BlockSpec((bm, _DQ), lambda i: (i, 0)),
            const((_DQ, _MMF)), const((1, _MMF)),
        ],
        out_specs=pl.BlockSpec((bm, _MMF), lambda i: (i, 0)),
        out_shape=jax.ShapeDtypeStruct((b * r, _MMF), jnp.float32),
        compiler_params=pltpu.CompilerParams(
            dimension_semantics=("arbitrary",),
            vmem_limit_bytes=60 * 1024 * 1024),
    )(q_expand, W_q0, b_q0.reshape(1, -1))

    out_t = pl.pallas_call(
        _murel_kernel,
        grid=(b // _G,),
        in_specs=[
            pl.BlockSpec((_GR, _MMF), lambda i: (i, 0)),
            pl.BlockSpec((_R, _G, _DM), lambda i: (0, i, 0)),
            pl.BlockSpec((_GR, _DC), lambda i: (i, 0)),
            const((_DM, _MMF)), const((1, _MMF)),
            const((_MMF, _DM)), const((1, _DM)),
            const((_DM, _MMP)), const((1, _MMP)),
            const((_DM, _MMP)), const((1, _MMP)),
            const((_MMP, _DM)), const((1, _DM)),
            const((_DC, _MMC)), const((1, _MMC)),
            const((_DC, _MMC)), const((1, _MMC)),
            const((_MMC, _DM)), const((1, _DM)),
        ],
        out_specs=pl.BlockSpec((_R, _G, _DM), lambda i: (0, i, 0)),
        out_shape=jax.ShapeDtypeStruct((r, b, d), jnp.float32),
        compiler_params=pltpu.CompilerParams(
            dimension_semantics=("arbitrary",),
            vmem_limit_bytes=62 * 1024 * 1024),
    )(a_all[src_idx], mm_t, coords_flat[src_idx],
      W_m1, b_m1.reshape(1, -1), W_fo, b_fo.reshape(1, -1),
      W_pf0, b_pf0.reshape(1, -1), W_pf1, b_pf1.reshape(1, -1),
      W_pfo, b_pfo.reshape(1, -1),
      W_pc0, b_pc0.reshape(1, -1), W_pc1, b_pc1.reshape(1, -1),
      W_pco, b_pco.reshape(1, -1))
    return out_t.transpose(1, 0, 2)

# --- scband reference (transcript-rebuilt; emitter-appended) ---
"""Pipeline reference for scband-mu-rel-cell-72310069395504 (READ-ONLY COPY).

The authoritative reference and input builder live on the scoring server;
editing this copy changes nothing except your own understanding.
"""

import jax, jax.numpy as jnp
import numpy as np

B, R, K = 64, 36, 16
DQ, DM, MMF, MMP, MMC, DC = 4800, 2048, 1200, 300, 32, 4


def setup_inputs(seed: int = 0) -> dict:
    key = jax.random.key(seed)
    ks = jax.random.split(key, 16)
    def w(i, shape, fan):
        return jax.random.normal(ks[i], shape, jnp.float32) * (1.0 / np.sqrt(fan))
    inp = {
        "q_expand": jax.random.normal(ks[0], (B * R, DQ), jnp.float32),
        "mm": jax.random.normal(ks[1], (B, R, DM), jnp.float32),
        "coords": jax.random.uniform(ks[2], (B, R, DC), jnp.float32),
        # fusion_module (MLB): q branch, mm branch, out proj
        "W_q0": w(3, (DQ, MMF), DQ), "b_q0": jnp.zeros((MMF,), jnp.float32),
        "W_m1": w(4, (DM, MMF), DM), "b_m1": jnp.zeros((MMF,), jnp.float32),
        "W_fo": w(5, (MMF, DM), MMF), "b_fo": jnp.zeros((DM,), jnp.float32),
        # pairwise fusion_feat (MLB)
        "W_pf0": w(6, (DM, MMP), DM), "b_pf0": jnp.zeros((MMP,), jnp.float32),
        "W_pf1": w(7, (DM, MMP), DM), "b_pf1": jnp.zeros((MMP,), jnp.float32),
        "W_pfo": w(8, (MMP, DM), MMP), "b_pfo": jnp.zeros((DM,), jnp.float32),
        # pairwise fusion_coord (MLB)
        "W_pc0": w(9, (DC, MMC), DC), "b_pc0": jnp.zeros((MMC,), jnp.float32),
        "W_pc1": w(10, (DC, MMC), DC), "b_pc1": jnp.zeros((MMC,), jnp.float32),
        "W_pco": w(11, (MMC, DM), MMC), "b_pco": jnp.zeros((DM,), jnp.float32),
    }
    return inp


def _mlb(x0, x1, W0, b0, W1, b1, Wo, bo):
    z = jax.nn.relu(x0 @ W0 + b0) * jax.nn.relu(x1 @ W1 + b1)
    return jax.nn.relu(z @ Wo + bo)


def reference(q_expand, mm, coords,
              W_q0, b_q0, W_m1, b_m1, W_fo, b_fo,
              W_pf0, b_pf0, W_pf1, b_pf1, W_pfo, b_pfo,
              W_pc0, b_pc0, W_pc1, b_pc1, W_pco, b_pco):
    b, r, d = mm.shape
    # process_fusion: flatten regions, fuse [q, mm], reshape back
    mm_flat = mm.reshape(b * r, d)
    mm_new = _mlb(q_expand, mm_flat, W_q0, b_q0, W_m1, b_m1, W_fo, b_fo).reshape(b, r, -1)
    # keep_topk with l2 criterion
    criterion = jnp.linalg.norm(mm_new, axis=2)  # [b, r]
    _, indices = jax.lax.top_k(criterion, K)     # [b, K]
    mm_topk = jnp.take_along_axis(mm_new, indices[:, :, None], axis=1)  # [b, K, d]
    c_topk = jnp.take_along_axis(coords, indices[:, :, None], axis=1)   # [b, K, 4]
    # pairwise module on selected regions (fusion_feat + fusion_coord, max agg, residual)
    mi = jnp.broadcast_to(mm_topk[:, :, None, :], (b, K, K, d))
    mj = jnp.broadcast_to(mm_topk[:, None, :, :], (b, K, K, d))
    Rij = _mlb(mi, mj, W_pf0, b_pf0, W_pf1, b_pf1, W_pfo, b_pfo)
    ci = jnp.broadcast_to(c_topk[:, :, None, :], (b, K, K, c_topk.shape[-1]))
    cj = jnp.broadcast_to(c_topk[:, None, :, :], (b, K, K, c_topk.shape[-1]))
    Rij = Rij + _mlb(ci, cj, W_pc0, b_pc0, W_pc1, b_pc1, W_pco, b_pco)
    e = jnp.max(Rij, axis=2)  # [b, K, d]
    mm_topk_new = mm_topk + e  # pairwise residual
    # scatter updated topk rows back into mm_new
    mm_new = mm_new.at[jnp.arange(b)[:, None], indices].set(mm_topk_new)
    return mm_new

if __name__ == "__main__":
    import jax
    _d = setup_inputs()
    print(jax.jit(kernel)(*tuple(_d.values())))

</pallas_src>

<mosaic_0001>
module attributes {stable_mosaic.version = 14 : i64} {
  func.func @_qbranch_kernel(%arg0: i32, %arg1: memref<256x4800xf32, #tpu.memory_space<vmem>>, %arg2: memref<4800x1200xf32, #tpu.memory_space<vmem>>, %arg3: memref<1x1200xf32, #tpu.memory_space<vmem>>, %arg4: memref<256x1200xf32, #tpu.memory_space<vmem>>) attributes {dimension_semantics = [#tpu.dimension_semantics<arbitrary>], iteration_bounds = array<i64: 9>, scalar_prefetch = 0 : i64, scratch_operands = 0 : i64, tpu.core_type = #tpu.core_type<tc>, window_params = [{transform_indices = @transform_0, window_bounds = array<i64: 256, 4800>}, {pipeline_mode = #tpu.pipeline_mode<synchronous>, transform_indices = @transform_1, window_bounds = array<i64: 4800, 1200>}, {pipeline_mode = #tpu.pipeline_mode<synchronous>, transform_indices = @transform_2, window_bounds = array<i64: 1, 1200>}, {transform_indices = @transform_3, window_bounds = array<i64: 256, 1200>}]} {
    %get3A = arith.constant 0 : index
    %get3A_0 = arith.constant 0 : index
    %get3A_1 = vector.load %arg1[%get3A, %get3A_0] : memref<256x4800xf32, #tpu.memory_space<vmem>>, vector<256x4800xf32>
    %get3A_2 = arith.constant 0 : index
    %get3A_3 = arith.constant 0 : index
    %get3A_4 = vector.load %arg2[%get3A_2, %get3A_3] : memref<4800x1200xf32, #tpu.memory_space<vmem>>, vector<4800x1200xf32>
    %dot_general3A = arith.constant dense<0.000000e+00> : vector<256x1200xf32>
    %dot_general3A_5 = tpu.matmul %get3A_1, %get3A_4, %dot_general3A {dimension_numbers = #tpu.dot_dimension_numbers<[1], [0], [0], [1], [0, 0, 1, 1], [], []>, transpose_lhs_hint = false} : vector<256x4800xf32>, vector<4800x1200xf32>, vector<256x1200xf32> -> vector<256x1200xf32>
    %get3A_6 = arith.constant 0 : index
    %get3A_7 = arith.constant 0 : index
    %get3A_8 = vector.load %arg3[%get3A_6, %get3A_7] : memref<1x1200xf32, #tpu.memory_space<vmem>>, vector<1x1200xf32>
    %add3A = vector.broadcast %get3A_8 : vector<1x1200xf32> to vector<256x1200xf32>
    %add3A_9 = arith.addf %dot_general3A_5, %add3A : vector<256x1200xf32>
    %max3A = arith.constant 0.000000e+00 : f32
    %max3A_10 = vector.broadcast %max3A : f32 to vector<256x1200xf32>
    %max3A_11 = arith.maximumf %add3A_9, %max3A_10 : vector<256x1200xf32>
    %swap3A = arith.constant 0 : index
    %swap3A_12 = arith.constant 0 : index
    %swap3A_13 = vector.load %arg4[%swap3A, %swap3A_12] : memref<256x1200xf32, #tpu.memory_space<vmem>>, vector<256x1200xf32>
    tpu.vector_store %arg4[%swap3A, %swap3A_12], %max3A_11 {strides = array<i32>} : memref<256x1200xf32, #tpu.memory_space<vmem>>, vector<256x1200xf32>,
    return
  }
  func.func @transform_0(%arg0: i32) -> (i32, i32) {
    %c0_i32 = arith.constant 0 : i32
    %c0_i32_0 = arith.constant 0 : i32
    return %arg0, %c0_i32 : i32, i32
  }
  func.func @transform_1(%arg0: i32) -> (i32, i32) {
    %c0_i32 = arith.constant 0 : i32
    %c0_i32_0 = arith.constant 0 : i32
    %c0_i32_1 = arith.constant 0 : i32
    return %c0_i32, %c0_i32_0 : i32, i32
  }
  func.func @transform_2(%arg0: i32) -> (i32, i32) {
    %c0_i32 = arith.constant 0 : i32
    %c0_i32_0 = arith.constant 0 : i32
    %c0_i32_1 = arith.constant 0 : i32
    return %c0_i32, %c0_i32_0 : i32, i32
  }
  func.func @transform_3(%arg0: i32) -> (i32, i32) {
    %c0_i32 = arith.constant 0 : i32
    %c0_i32_0 = arith.constant 0 : i32
    return %arg0, %c0_i32 : i32, i32
  }
}

module attributes {stable_mosaic.version = 14 : i64} {
  func.func @_murel_kernel(%arg0: i32, %arg1: memref<288x1200xf32, #tpu.memory_space<vmem>>, %arg2: memref<36x8x2048xf32, #tpu.memory_space<vmem>>, %arg3: memref<288x4xf32, #tpu.memory_space<vmem>>, %arg4: memref<2048x1200xf32, #tpu.memory_space<vmem>>, %arg5: memref<1x1200xf32, #tpu.memory_space<vmem>>, %arg6: memref<1200x2048xf32, #tpu.memory_space<vmem>>, %arg7: memref<1x2048xf32, #tpu.memory_space<vmem>>, %arg8: memref<2048x300xf32, #tpu.memory_space<vmem>>, %arg9: memref<1x300xf32, #tpu.memory_space<vmem>>, %arg10: memref<2048x300xf32, #tpu.memory_space<vmem>>, %arg11: memref<1x300xf32, #tpu.memory_space<vmem>>, %arg12: memref<300x2048xf32, #tpu.memory_space<vmem>>, %arg13: memref<1x2048xf32, #tpu.memory_space<vmem>>, %arg14: memref<4x32xf32, #tpu.memory_space<vmem>>, %arg15: memref<1x32xf32, #tpu.memory_space<vmem>>, %arg16: memref<4x32xf32, #tpu.memory_space<vmem>>, %arg17: memref<1x32xf32, #tpu.memory_space<vmem>>, %arg18: memref<32x2048xf32, #tpu.memory_space<vmem>>, %arg19: memref<1x2048xf32, #tpu.memory_space<vmem>>, %arg20: memref<36x8x2048xf32, #tpu.memory_space<vmem>>) attributes {dimension_semantics = [#tpu.dimension_semantics<arbitrary>], iteration_bounds = array<i64: 8>, scalar_prefetch = 0 : i64, scratch_operands = 0 : i64, tpu.core_type = #tpu.core_type<tc>, window_params = [{transform_indices = @transform_0, window_bounds = array<i64: 288, 1200>}, {transform_indices = @transform_1, window_bounds = array<i64: 36, 8, 2048>}, {transform_indices = @transform_2, window_bounds = array<i64: 288, 4>}, {pipeline_mode = #tpu.pipeline_mode<synchronous>, transform_indices = @transform_3, window_bounds = array<i64: 2048, 1200>}, {pipeline_mode = #tpu.pipeline_mode<synchronous>, transform_indices = @transform_4, window_bounds = array<i64: 1, 1200>}, {pipeline_mode = #tpu.pipeline_mode<synchronous>, transform_indices = @transform_5, window_bounds = array<i64: 1200, 2048>}, {pipeline_mode = #tpu.pipeline_mode<synchronous>, transform_indices = @transform_6, window_bounds = array<i64: 1, 2048>}, {pipeline_mode = #tpu.pipeline_mode<synchronous>, transform_indices = @transform_7, window_bounds = array<i64: 2048, 300>}, {pipeline_mode = #tpu.pipeline_mode<synchronous>, transform_indices = @transform_8, window_bounds = array<i64: 1, 300>}, {pipeline_mode = #tpu.pipeline_mode<synchronous>, transform_indices = @transform_9, window_bounds = array<i64: 2048, 300>}, {pipeline_mode = #tpu.pipeline_mode<synchronous>, transform_indices = @transform_10, window_bounds = array<i64: 1, 300>}, {pipeline_mode = #tpu.pipeline_mode<synchronous>, transform_indices = @transform_11, window_bounds = array<i64: 300, 2048>}, {pipeline_mode = #tpu.pipeline_mode<synchronous>, transform_indices = @transform_12, window_bounds = array<i64: 1, 2048>}, {pipeline_mode = #tpu.pipeline_mode<synchronous>, transform_indices = @transform_13, window_bounds = array<i64: 4, 32>}, {pipeline_mode = #tpu.pipeline_mode<synchronous>, transform_indices = @transform_14, window_bounds = array<i64: 1, 32>}, {pipeline_mode = #tpu.pipeline_mode<synchronous>, transform_indices = @transform_15, window_bounds = array<i64: 4, 32>}, {pipeline_mode = #tpu.pipeline_mode<synchronous>, transform_indices = @transform_16, window_bounds = array<i64: 1, 32>}, {pipeline_mode = #tpu.pipeline_mode<synchronous>, transform_indices = @transform_17, window_bounds = array<i64: 32, 2048>}, {pipeline_mode = #tpu.pipeline_mode<synchronous>, transform_indices = @transform_18, window_bounds = array<i64: 1, 2048>}, {transform_indices = @transform_19, window_bounds = array<i64: 36, 8, 2048>}]} {
    %get3A = arith.constant 0 : index
    %get3A_0 = arith.constant 0 : index
    %get3A_1 = arith.constant 0 : index
    %get3A_2 = vector.load %arg2[%get3A, %get3A_0, %get3A_1] : memref<36x8x2048xf32, #tpu.memory_space<vmem>>, vector<36x8x2048xf32>
    %reshape3A = vector.shape_cast %get3A_2 : vector<36x8x2048xf32> to vector<288x2048xf32>
    %get3A_3 = arith.constant 0 : index
    %get3A_4 = arith.constant 0 : index
    %get3A_5 = vector.load %arg4[%get3A_3, %get3A_4] : memref<2048x1200xf32, #tpu.memory_space<vmem>>, vector<2048x1200xf32>
    %dot_general3A = arith.constant dense<0.000000e+00> : vector<288x1200xf32>
    %dot_general3A_6 = tpu.matmul %reshape3A, %get3A_5, %dot_general3A {dimension_numbers = #tpu.dot_dimension_numbers<[1], [0], [0], [1], [0, 0, 1, 1], [], []>, transpose_lhs_hint = false} : vector<288x2048xf32>, vector<2048x1200xf32>, vector<288x1200xf32> -> vector<288x1200xf32>
    %get3A_7 = arith.constant 0 : index
    %get3A_8 = arith.constant 0 : index
    %get3A_9 = vector.load %arg5[%get3A_7, %get3A_8] : memref<1x1200xf32, #tpu.memory_space<vmem>>, vector<1x1200xf32>
    %add3A = vector.broadcast %get3A_9 : vector<1x1200xf32> to vector<288x1200xf32>
    %add3A_10 = arith.addf %dot_general3A_6, %add3A : vector<288x1200xf32>
    %max3A = arith.constant 0.000000e+00 : f32
    %max3A_11 = vector.broadcast %max3A : f32 to vector<288x1200xf32>
    %max3A_12 = arith.maximumf %add3A_10, %max3A_11 : vector<288x1200xf32>
    %get3A_13 = arith.constant 0 : index
    %get3A_14 = arith.constant 0 : index
    %get3A_15 = vector.load %arg1[%get3A_13, %get3A_14] : memref<288x1200xf32, #tpu.memory_space<vmem>>, vector<288x1200xf32>
    %mul3A = arith.mulf %get3A_15, %max3A_12 : vector<288x1200xf32>
    %get3A_16 = arith.constant 0 : index
    %get3A_17 = arith.constant 0 : index
    %get3A_18 = vector.load %arg6[%get3A_16, %get3A_17] : memref<1200x2048xf32, #tpu.memory_space<vmem>>, vector<1200x2048xf32>
    %dot_general3A_19 = arith.constant dense<0.000000e+00> : vector<288x2048xf32>
    %dot_general3A_20 = tpu.matmul %mul3A, %get3A_18, %dot_general3A_19 {dimension_numbers = #tpu.dot_dimension_numbers<[1], [0], [0], [1], [0, 0, 1, 1], [], []>, transpose_lhs_hint = false} : vector<288x1200xf32>, vector<1200x2048xf32>, vector<288x2048xf32> -> vector<288x2048xf32>
    %get3A_21 = arith.constant 0 : index
    %get3A_22 = arith.constant 0 : index
    %get3A_23 = vector.load %arg7[%get3A_21, %get3A_22] : memref<1x2048xf32, #tpu.memory_space<vmem>>, vector<1x2048xf32>
    %add3A_24 = vector.broadcast %get3A_23 : vector<1x2048xf32> to vector<288x2048xf32>
    %add3A_25 = arith.addf %dot_general3A_20, %add3A_24 : vector<288x2048xf32>
    %max3A_26 = arith.constant 0.000000e+00 : f32
    %max3A_27 = vector.broadcast %max3A_26 : f32 to vector<288x2048xf32>
    %max3A_28 = arith.maximumf %add3A_25, %max3A_27 : vector<288x2048xf32>
    %get3A_29 = arith.constant 0 : index
    %get3A_30 = arith.constant 0 : index
    %get3A_31 = vector.load %arg3[%get3A_29, %get3A_30] : memref<288x4xf32, #tpu.memory_space<vmem>>, vector<288x4xf32>
    %mul3A_32 = arith.mulf %max3A_28, %max3A_28 : vector<288x2048xf32>
    %reduce_sum3A = arith.constant dense<0.000000e+00> : vector<288xf32>
    %reduce_sum3A_33 = vector.multi_reduction <add>, %mul3A_32, %reduce_sum3A [1] : vector<288x2048xf32> to vector<288xf32>
    %broadcast_in_dim3A = vector.shape_cast %reduce_sum3A_33 : vector<288xf32> to vector<288x1xf32>
    %iota3A = tpu.iota {dimensions = array<i32: 0>} : vector<288x288xi32>
    %iota3A_34 = tpu.iota {dimensions = array<i32: 1>} : vector<288x288xi32>
    %and3A = arith.constant 7 : i32
    %and3A_35 = vector.broadcast %and3A : i32 to vector<288x288xi32>
    %and3A_36 = arith.andi %iota3A, %and3A_35 : vector<288x288xi32>
    %and3A_37 = arith.constant 7 : i32
    %and3A_38 = vector.broadcast %and3A_37 : i32 to vector<288x288xi32>
    %and3A_39 = arith.andi %iota3A_34, %and3A_38 : vector<288x288xi32>
    %eq3A = arith.cmpi eq, %and3A_36, %and3A_39 : vector<288x288xi32>
    %transpose3A = tpu.transpose %broadcast_in_dim3A, [1, 0] : vector<288x1xf32> -> vector<1x288xf32>
    %gt3A = vector.broadcast %transpose3A : vector<1x288xf32> to vector<288x288xf32>
    %gt3A_40 = vector.broadcast %broadcast_in_dim3A : vector<288x1xf32> to vector<288x288xf32>
    %gt3A_41 = arith.cmpf ogt, %gt3A, %gt3A_40 : vector<288x288xf32>
    %eq3A_42 = vector.broadcast %transpose3A : vector<1x288xf32> to vector<288x288xf32>
    %eq3A_43 = vector.broadcast %broadcast_in_dim3A : vector<288x1xf32> to vector<288x288xf32>
    %eq3A_44 = arith.cmpf oeq, %eq3A_42, %eq3A_43 : vector<288x288xf32>
    %shift_right_arithmetic3A = arith.constant 3 : i32
    %shift_right_arithmetic3A_45 = vector.broadcast %shift_right_arithmetic3A : i32 to vector<288x288xi32>
    %shift_right_arithmetic3A_46 = arith.shrsi %iota3A_34, %shift_right_arithmetic3A_45 : vector<288x288xi32>
    %shift_right_arithmetic3A_47 = arith.constant 3 : i32
    %shift_right_arithmetic3A_48 = vector.broadcast %shift_right_arithmetic3A_47 : i32 to vector<288x288xi32>
    %shift_right_arithmetic3A_49 = arith.shrsi %iota3A, %shift_right_arithmetic3A_48 : vector<288x288xi32>
    %lt3A = arith.cmpi slt, %shift_right_arithmetic3A_46, %shift_right_arithmetic3A_49 : vector<288x288xi32>
    %and3A_50 = arith.andi %eq3A_44, %lt3A : vector<288x288xi1>
    %or3A = arith.ori %gt3A_41, %and3A_50 : vector<288x288xi1>
    %and3A_51 = arith.andi %eq3A, %or3A : vector<288x288xi1>
    %convert_element_type3A = arith.extui %and3A_51 : vector<288x288xi1> to vector<288x288xi32>
    %reduce_sum3A_52 = arith.constant dense<0> : vector<288xi32>
    %reduce_sum3A_53 = vector.multi_reduction <add>, %convert_element_type3A, %reduce_sum3A_52 [1] : vector<288x288xi32> to vector<288xi32>
    %broadcast_in_dim3A_54 = vector.shape_cast %reduce_sum3A_53 : vector<288xi32> to vector<288x1xi32>
    %iota3A_55 = tpu.iota {dimensions = array<i32: 0>} : vector<288x128xi32>
    %iota3A_56 = tpu.iota {dimensions = array<i32: 1>} : vector<288x128xi32>
    %and3A_57 = arith.constant 7 : i32
    %and3A_58 = vector.broadcast %and3A_57 : i32 to vector<288x128xi32>
    %and3A_59 = arith.andi %iota3A_55, %and3A_58 : vector<288x128xi32>
    %and3A_60 = arith.constant 7 : i32
    %and3A_61 = vector.broadcast %and3A_60 : i32 to vector<288x128xi32>
    %and3A_62 = arith.andi %iota3A_56, %and3A_61 : vector<288x128xi32>
    %eq3A_63 = arith.cmpi eq, %and3A_59, %and3A_62 : vector<288x128xi32>
    %shift_right_arithmetic3A_64 = arith.constant 3 : i32
    %shift_right_arithmetic3A_65 = vector.broadcast %shift_right_arithmetic3A_64 : i32 to vector<288x128xi32>
    %shift_right_arithmetic3A_66 = arith.shrsi %iota3A_56, %shift_right_arithmetic3A_65 : vector<288x128xi32>
    %eq3A_67 = vector.broadcast %broadcast_in_dim3A_54 : vector<288x1xi32> to vector<288x128xi32>
    %eq3A_68 = arith.cmpi eq, %eq3A_67, %shift_right_arithmetic3A_66 : vector<288x128xi32>
    %and3A_69 = arith.andi %eq3A_63, %eq3A_68 : vector<288x128xi1>
    %convert_element_type3A_70 = arith.extui %and3A_69 : vector<288x128xi1> to vector<288x128xi32>
    %convert_element_type3A_71 = arith.sitofp %convert_element_type3A_70 : vector<288x128xi32> to vector<288x128xf32>
    %dot_general3A_72 = arith.constant dense<0.000000e+00> : vector<128x2048xf32>
    %dot_general3A_73 = tpu.matmul %convert_element_type3A_71, %max3A_28, %dot_general3A_72 {dimension_numbers = #tpu.dot_dimension_numbers<[0], [0], [1], [1], [0, 1, 1, 1], [], []>, transpose_lhs_hint = false} : vector<288x128xf32>, vector<288x2048xf32>, vector<128x2048xf32> -> vector<128x2048xf32>
    %dot_general3A_74 = arith.constant dense<0.000000e+00> : vector<128x4xf32>
    %dot_general3A_75 = tpu.matmul %convert_element_type3A_71, %get3A_31, %dot_general3A_74 {dimension_numbers = #tpu.dot_dimension_numbers<[0], [0], [1], [1], [0, 1, 1, 1], [], []>, transpose_lhs_hint = false} : vector<288x128xf32>, vector<288x4xf32>, vector<128x4xf32> -> vector<128x4xf32>
    %get3A_76 = arith.constant 0 : index
    %get3A_77 = arith.constant 0 : index
    %get3A_78 = vector.load %arg8[%get3A_76, %get3A_77] : memref<2048x300xf32, #tpu.memory_space<vmem>>, vector<2048x300xf32>
    %dot_general3A_79 = arith.constant dense<0.000000e+00> : vector<128x300xf32>
    %dot_general3A_80 = tpu.matmul %dot_general3A_73, %get3A_78, %dot_general3A_79 {dimension_numbers = #tpu.dot_dimension_numbers<[1], [0], [0], [1], [0, 0, 1, 1], [], []>, transpose_lhs_hint = false} : vector<128x2048xf32>, vector<2048x300xf32>, vector<128x300xf32> -> vector<128x300xf32>
    %get3A_81 = arith.constant 0 : index
    %get3A_82 = arith.constant 0 : index
    %get3A_83 = vector.load %arg9[%get3A_81, %get3A_82] : memref<1x300xf32, #tpu.memory_space<vmem>>, vector<1x300xf32>
    %add3A_84 = vector.broadcast %get3A_83 : vector<1x300xf32> to vector<128x300xf32>
    %add3A_85 = arith.addf %dot_general3A_80, %add3A_84 : vector<128x300xf32>
    %max3A_86 = arith.constant 0.000000e+00 : f32
    %max3A_87 = vector.broadcast %max3A_86 : f32 to vector<128x300xf32>
    %max3A_88 = arith.maximumf %add3A_85, %max3A_87 : vector<128x300xf32>
    %get3A_89 = arith.constant 0 : index
    %get3A_90 = arith.constant 0 : index
    %get3A_91 = vector.load %arg10[%get3A_89, %get3A_90] : memref<2048x300xf32, #tpu.memory_space<vmem>>, vector<2048x300xf32>
    %dot_general3A_92 = arith.constant dense<0.000000e+00> : vector<128x300xf32>
    %dot_general3A_93 = tpu.matmul %dot_general3A_73, %get3A_91, %dot_general3A_92 {dimension_numbers = #tpu.dot_dimension_numbers<[1], [0], [0], [1], [0, 0, 1, 1], [], []>, transpose_lhs_hint = false} : vector<128x2048xf32>, vector<2048x300xf32>, vector<128x300xf32> -> vector<128x300xf32>
    %get3A_94 = arith.constant 0 : index
    %get3A_95 = arith.constant 0 : index
    %get3A_96 = vector.load %arg11[%get3A_94, %get3A_95] : memref<1x300xf32, #tpu.memory_space<vmem>>, vector<1x300xf32>
    %add3A_97 = vector.broadcast %get3A_96 : vector<1x300xf32> to vector<128x300xf32>
    %add3A_98 = arith.addf %dot_general3A_93, %add3A_97 : vector<128x300xf32>
    %max3A_99 = arith.constant 0.000000e+00 : f32
    %max3A_100 = vector.broadcast %max3A_99 : f32 to vector<128x300xf32>
    %max3A_101 = arith.maximumf %add3A_98, %max3A_100 : vector<128x300xf32>
    %get3A_102 = arith.constant 0 : index
    %get3A_103 = arith.constant 0 : index
    %get3A_104 = vector.load %arg14[%get3A_102, %get3A_103] : memref<4x32xf32, #tpu.memory_space<vmem>>, vector<4x32xf32>
    %dot_general3A_105 = arith.constant dense<0.000000e+00> : vector<128x32xf32>
    %dot_general3A_106 = tpu.matmul %dot_general3A_75, %get3A_104, %dot_general3A_105 {dimension_numbers = #tpu.dot_dimension_numbers<[1], [0], [0], [1], [0, 0, 1, 1], [], []>, transpose_lhs_hint = false} : vector<128x4xf32>, vector<4x32xf32>, vector<128x32xf32> -> vector<128x32xf32>
    %get3A_107 = arith.constant 0 : index
    %get3A_108 = arith.constant 0 : index
    %get3A_109 = vector.load %arg15[%get3A_107, %get3A_108] : memref<1x32xf32, #tpu.memory_space<vmem>>, vector<1x32xf32>
    %add3A_110 = vector.broadcast %get3A_109 : vector<1x32xf32> to vector<128x32xf32>
    %add3A_111 = arith.addf %dot_general3A_106, %add3A_110 : vector<128x32xf32>
    %max3A_112 = arith.constant 0.000000e+00 : f32
    %max3A_113 = vector.broadcast %max3A_112 : f32 to vector<128x32xf32>
    %max3A_114 = arith.maximumf %add3A_111, %max3A_113 : vector<128x32xf32>
    %get3A_115 = arith.constant 0 : index
    %get3A_116 = arith.constant 0 : index
    %get3A_117 = vector.load %arg16[%get3A_115, %get3A_116] : memref<4x32xf32, #tpu.memory_space<vmem>>, vector<4x32xf32>
    %dot_general3A_118 = arith.constant dense<0.000000e+00> : vector<128x32xf32>
    %dot_general3A_119 = tpu.matmul %dot_general3A_75, %get3A_117, %dot_general3A_118 {dimension_numbers = #tpu.dot_dimension_numbers<[1], [0], [0], [1], [0, 0, 1, 1], [], []>, transpose_lhs_hint = false} : vector<128x4xf32>, vector<4x32xf32>, vector<128x32xf32> -> vector<128x32xf32>
    %get3A_120 = arith.constant 0 : index
    %get3A_121 = arith.constant 0 : index
    %get3A_122 = vector.load %arg17[%get3A_120, %get3A_121] : memref<1x32xf32, #tpu.memory_space<vmem>>, vector<1x32xf32>
    %add3A_123 = vector.broadcast %get3A_122 : vector<1x32xf32> to vector<128x32xf32>
    %add3A_124 = arith.addf %dot_general3A_119, %add3A_123 : vector<128x32xf32>
    %max3A_125 = arith.constant 0.000000e+00 : f32
    %max3A_126 = vector.broadcast %max3A_125 : f32 to vector<128x32xf32>
    %max3A_127 = arith.maximumf %add3A_124, %max3A_126 : vector<128x32xf32>
    %iota3A_128 = tpu.iota {dimensions = array<i32: 0>} : vector<1024x128xi32>
    %iota3A_129 = tpu.iota {dimensions = array<i32: 1>} : vector<1024x128xi32>
    %shift_right_arithmetic3A_130 = arith.constant 4 : i32
    %shift_right_arithmetic3A_131 = vector.broadcast %shift_right_arithmetic3A_130 : i32 to vector<1024x128xi32>
    %shift_right_arithmetic3A_132 = arith.shrsi %iota3A_128, %shift_right_arithmetic3A_131 : vector<1024x128xi32>
    %add3A_133 = arith.constant 0 : i32
    %add3A_134 = vector.broadcast %add3A_133 : i32 to vector<1024x128xi32>
    %add3A_135 = arith.addi %add3A_134, %shift_right_arithmetic3A_132 : vector<1024x128xi32>
    %eq3A_136 = arith.cmpi eq, %iota3A_129, %add3A_135 : vector<1024x128xi32>
    %convert_element_type3A_137 = arith.extui %eq3A_136 : vector<1024x128xi1> to vector<1024x128xi32>
    %convert_element_type3A_138 = arith.sitofp %convert_element_type3A_137 : vector<1024x128xi32> to vector<1024x128xf32>
    %and3A_139 = arith.constant 15 : i32
    %and3A_140 = vector.broadcast %and3A_139 : i32 to vector<1024x128xi32>
    %and3A_141 = arith.andi %iota3A_128, %and3A_140 : vector<1024x128xi32>
    %shift_left3A = arith.constant 3 : i32
    %shift_left3A_142 = vector.broadcast %shift_left3A : i32 to vector<1024x128xi32>
    %shift_left3A_143 = arith.shli %and3A_141, %shift_left3A_142 : vector<1024x128xi32>
    %shift_right_arithmetic3A_144 = arith.constant 4 : i32
    %shift_right_arithmetic3A_145 = vector.broadcast %shift_right_arithmetic3A_144 : i32 to vector<1024x128xi32>
    %shift_right_arithmetic3A_146 = arith.shrsi %iota3A_128, %shift_right_arithmetic3A_145 : vector<1024x128xi32>
    %add3A_147 = arith.constant 0 : i32
    %add3A_148 = vector.broadcast %add3A_147 : i32 to vector<1024x128xi32>
    %add3A_149 = arith.addi %shift_right_arithmetic3A_146, %add3A_148 : vector<1024x128xi32>
    %and3A_150 = arith.constant 7 : i32
    %and3A_151 = vector.broadcast %and3A_150 : i32 to vector<1024x128xi32>
    %and3A_152 = arith.andi %add3A_149, %and3A_151 : vector<1024x128xi32>
    %add3A_153 = arith.addi %shift_left3A_143, %and3A_152 : vector<1024x128xi32>
    %eq3A_154 = arith.cmpi eq, %iota3A_129, %add3A_153 : vector<1024x128xi32>
    %convert_element_type3A_155 = arith.extui %eq3A_154 : vector<1024x128xi1> to vector<1024x128xi32>
    %convert_element_type3A_156 = arith.sitofp %convert_element_type3A_155 : vector<1024x128xi32> to vector<1024x128xf32>
    %dot_general3A_157 = arith.constant dense<0.000000e+00> : vector<1024x300xf32>
    %dot_general3A_158 = tpu.matmul %convert_element_type3A_138, %max3A_88, %dot_general3A_157 {dimension_numbers = #tpu.dot_dimension_numbers<[1], [0], [0], [1], [0, 0, 1, 1], [], []>, transpose_lhs_hint = false} : vector<1024x128xf32>, vector<128x300xf32>, vector<1024x300xf32> -> vector<1024x300xf32>
    %dot_general3A_159 = arith.constant dense<0.000000e+00> : vector<1024x300xf32>
    %dot_general3A_160 = tpu.matmul %convert_element_type3A_156, %max3A_101, %dot_general3A_159 {dimension_numbers = #tpu.dot_dimension_numbers<[1], [0], [0], [1], [0, 0, 1, 1], [], []>, transpose_lhs_hint = false} : vector<1024x128xf32>, vector<128x300xf32>, vector<1024x300xf32> -> vector<1024x300xf32>
    %mul3A_161 = arith.mulf %dot_general3A_158, %dot_general3A_160 : vector<1024x300xf32>
    %dot_general3A_162 = arith.constant dense<0.000000e+00> : vector<1024x32xf32>
    %dot_general3A_163 = tpu.matmul %convert_element_type3A_138, %max3A_114, %dot_general3A_162 {dimension_numbers = #tpu.dot_dimension_numbers<[1], [0], [0], [1], [0, 0, 1, 1], [], []>, transpose_lhs_hint = false} : vector<1024x128xf32>, vector<128x32xf32>, vector<1024x32xf32> -> vector<1024x32xf32>
    %dot_general3A_164 = arith.constant dense<0.000000e+00> : vector<1024x32xf32>
    %dot_general3A_165 = tpu.matmul %convert_element_type3A_156, %max3A_127, %dot_general3A_164 {dimension_numbers = #tpu.dot_dimension_numbers<[1], [0], [0], [1], [0, 0, 1, 1], [], []>, transpose_lhs_hint = false} : vector<1024x128xf32>, vector<128x32xf32>, vector<1024x32xf32> -> vector<1024x32xf32>
    %mul3A_166 = arith.mulf %dot_general3A_163, %dot_general3A_165 : vector<1024x32xf32>
    %get3A_167 = arith.constant 0 : index
    %get3A_168 = arith.constant 0 : index
    %get3A_169 = vector.load %arg12[%get3A_167, %get3A_168] : memref<300x2048xf32, #tpu.memory_space<vmem>>, vector<300x2048xf32>
    %dot_general3A_170 = arith.constant dense<0.000000e+00> : vector<1024x2048xf32>
    %dot_general3A_171 = tpu.matmul %mul3A_161, %get3A_169, %dot_general3A_170 {dimension_numbers = #tpu.dot_dimension_numbers<[1], [0], [0], [1], [0, 0, 1, 1], [], []>, transpose_lhs_hint = false} : vector<1024x300xf32>, vector<300x2048xf32>, vector<1024x2048xf32> -> vector<1024x2048xf32>
    %get3A_172 = arith.constant 0 : index
    %get3A_173 = arith.constant 0 : index
    %get3A_174 = vector.load %arg13[%get3A_172, %get3A_173] : memref<1x2048xf32, #tpu.memory_space<vmem>>, vector<1x2048xf32>
    %add3A_175 = vector.broadcast %get3A_174 : vector<1x2048xf32> to vector<1024x2048xf32>
    %add3A_176 = arith.addf %dot_general3A_171, %add3A_175 : vector<1024x2048xf32>
    %max3A_177 = arith.constant 0.000000e+00 : f32
    %max3A_178 = vector.broadcast %max3A_177 : f32 to vector<1024x2048xf32>
    %max3A_179 = arith.maximumf %add3A_176, %max3A_178 : vector<1024x2048xf32>
    %get3A_180 = arith.constant 0 : index
    %get3A_181 = arith.constant 0 : index
    %get3A_182 = vector.load %arg18[%get3A_180, %get3A_181] : memref<32x2048xf32, #tpu.memory_space<vmem>>, vector<32x2048xf32>
    %dot_general3A_183 = arith.constant dense<0.000000e+00> : vector<1024x2048xf32>
    %dot_general3A_184 = tpu.matmul %mul3A_166, %get3A_182, %dot_general3A_183 {dimension_numbers = #tpu.dot_dimension_numbers<[1], [0], [0], [1], [0, 0, 1, 1], [], []>, transpose_lhs_hint = false} : vector<1024x32xf32>, vector<32x2048xf32>, vector<1024x2048xf32> -> vector<1024x2048xf32>
    %get3A_185 = arith.constant 0 : index
    %get3A_186 = arith.constant 0 : index
    %get3A_187 = vector.load %arg19[%get3A_185, %get3A_186] : memref<1x2048xf32, #tpu.memory_space<vmem>>, vector<1x2048xf32>
    %add3A_188 = vector.broadcast %get3A_187 : vector<1x2048xf32> to vector<1024x2048xf32>
    %add3A_189 = arith.addf %dot_general3A_184, %add3A_188 : vector<1024x2048xf32>
    %max3A_190 = arith.constant 0.000000e+00 : f32
    %max3A_191 = vector.broadcast %max3A_190 : f32 to vector<1024x2048xf32>
    %max3A_192 = arith.maximumf %add3A_189, %max3A_191 : vector<1024x2048xf32>
    %add3A_193 = arith.addf %max3A_179, %max3A_192 : vector<1024x2048xf32>
    %reshape3A_194 = vector.shape_cast %add3A_193 : vector<1024x2048xf32> to vector<64x16x2048xf32>
    %reduce_max3A = arith.constant dense<0xFF800000> : vector<64x2048xf32>
    %reduce_max3A_195 = vector.multi_reduction <maximumf>, %reshape3A_194, %reduce_max3A [1] : vector<64x16x2048xf32> to vector<64x2048xf32>
    %iota3A_196 = tpu.iota {dimensions = array<i32: 0>} : vector<1024x128xi32>
    %iota3A_197 = tpu.iota {dimensions = array<i32: 1>} : vector<1024x128xi32>
    %shift_right_arithmetic3A_198 = arith.constant 4 : i32
    %shift_right_arithmetic3A_199 = vector.broadcast %shift_right_arithmetic3A_198 : i32 to vector<1024x128xi32>
    %shift_right_arithmetic3A_200 = arith.shrsi %iota3A_196, %shift_right_arithmetic3A_199 : vector<1024x128xi32>
    %add3A_201 = arith.constant 64 : i32
    %add3A_202 = vector.broadcast %add3A_201 : i32 to vector<1024x128xi32>
    %add3A_203 = arith.addi %add3A_202, %shift_right_arithmetic3A_200 : vector<1024x128xi32>
    %eq3A_204 = arith.cmpi eq, %iota3A_197, %add3A_203 : vector<1024x128xi32>
    %convert_element_type3A_205 = arith.extui %eq3A_204 : vector<1024x128xi1> to vector<1024x128xi32>
    %convert_element_type3A_206 = arith.sitofp %convert_element_type3A_205 : vector<1024x128xi32> to vector<1024x128xf32>
    %and3A_207 = arith.constant 15 : i32
    %and3A_208 = vector.broadcast %and3A_207 : i32 to vector<1024x128xi32>
    %and3A_209 = arith.andi %iota3A_196, %and3A_208 : vector<1024x128xi32>
    %shift_left3A_210 = arith.constant 3 : i32
    %shift_left3A_211 = vector.broadcast %shift_left3A_210 : i32 to vector<1024x128xi32>
    %shift_left3A_212 = arith.shli %and3A_209, %shift_left3A_211 : vector<1024x128xi32>
    %shift_right_arithmetic3A_213 = arith.constant 4 : i32
    %shift_right_arithmetic3A_214 = vector.broadcast %shift_right_arithmetic3A_213 : i32 to vector<1024x128xi32>
    %shift_right_arithmetic3A_215 = arith.shrsi %iota3A_196, %shift_right_arithmetic3A_214 : vector<1024x128xi32>
    %add3A_216 = arith.constant 64 : i32
    %add3A_217 = vector.broadcast %add3A_216 : i32 to vector<1024x128xi32>
    %add3A_218 = arith.addi %shift_right_arithmetic3A_215, %add3A_217 : vector<1024x128xi32>
    %and3A_219 = arith.constant 7 : i32
    %and3A_220 = vector.broadcast %and3A_219 : i32 to vector<1024x128xi32>
    %and3A_221 = arith.andi %add3A_218, %and3A_220 : vector<1024x128xi32>
    %add3A_222 = arith.addi %shift_left3A_212, %and3A_221 : vector<1024x128xi32>
    %eq3A_223 = arith.cmpi eq, %iota3A_197, %add3A_222 : vector<1024x128xi32>
    %convert_element_type3A_224 = arith.extui %eq3A_223 : vector<1024x128xi1> to vector<1024x128xi32>
    %convert_element_type3A_225 = arith.sitofp %convert_element_type3A_224 : vector<1024x128xi32> to vector<1024x128xf32>
    %dot_general3A_226 = arith.constant dense<0.000000e+00> : vector<1024x300xf32>
    %dot_general3A_227 = tpu.matmul %convert_element_type3A_206, %max3A_88, %dot_general3A_226 {dimension_numbers = #tpu.dot_dimension_numbers<[1], [0], [0], [1], [0, 0, 1, 1], [], []>, transpose_lhs_hint = false} : vector<1024x128xf32>, vector<128x300xf32>, vector<1024x300xf32> -> vector<1024x300xf32>
    %dot_general3A_228 = arith.constant dense<0.000000e+00> : vector<1024x300xf32>
    %dot_general3A_229 = tpu.matmul %convert_element_type3A_225, %max3A_101, %dot_general3A_228 {dimension_numbers = #tpu.dot_dimension_numbers<[1], [0], [0], [1], [0, 0, 1, 1], [], []>, transpose_lhs_hint = false} : vector<1024x128xf32>, vector<128x300xf32>, vector<1024x300xf32> -> vector<1024x300xf32>
    %mul3A_230 = arith.mulf %dot_general3A_227, %dot_general3A_229 : vector<1024x300xf32>
    %dot_general3A_231 = arith.constant dense<0.000000e+00> : vector<1024x32xf32>
    %dot_general3A_232 = tpu.matmul %convert_element_type3A_206, %max3A_114, %dot_general3A_231 {dimension_numbers = #tpu.dot_dimension_numbers<[1], [0], [0], [1], [0, 0, 1, 1], [], []>, transpose_lhs_hint = false} : vector<1024x128xf32>, vector<128x32xf32>, vector<1024x32xf32> -> vector<1024x32xf32>
    %dot_general3A_233 = arith.constant dense<0.000000e+00> : vector<1024x32xf32>
    %dot_general3A_234 = tpu.matmul %convert_element_type3A_225, %max3A_127, %dot_general3A_233 {dimension_numbers = #tpu.dot_dimension_numbers<[1], [0], [0], [1], [0, 0, 1, 1], [], []>, transpose_lhs_hint = false} : vector<1024x128xf32>, vector<128x32xf32>, vector<1024x32xf32> -> vector<1024x32xf32>
    %mul3A_235 = arith.mulf %dot_general3A_232, %dot_general3A_234 : vector<1024x32xf32>
    %get3A_236 = arith.constant 0 : index
    %get3A_237 = arith.constant 0 : index
    %get3A_238 = vector.load %arg12[%get3A_236, %get3A_237] : memref<300x2048xf32, #tpu.memory_space<vmem>>, vector<300x2048xf32>
    %dot_general3A_239 = arith.constant dense<0.000000e+00> : vector<1024x2048xf32>
    %dot_general3A_240 = tpu.matmul %mul3A_230, %get3A_238, %dot_general3A_239 {dimension_numbers = #tpu.dot_dimension_numbers<[1], [0], [0], [1], [0, 0, 1, 1], [], []>, transpose_lhs_hint = false} : vector<1024x300xf32>, vector<300x2048xf32>, vector<1024x2048xf32> -> vector<1024x2048xf32>
    %get3A_241 = arith.constant 0 : index
    %get3A_242 = arith.constant 0 : index
    %get3A_243 = vector.load %arg13[%get3A_241, %get3A_242] : memref<1x2048xf32, #tpu.memory_space<vmem>>, vector<1x2048xf32>
    %add3A_244 = vector.broadcast %get3A_243 : vector<1x2048xf32> to vector<1024x2048xf32>
    %add3A_245 = arith.addf %dot_general3A_240, %add3A_244 : vector<1024x2048xf32>
    %max3A_246 = arith.constant 0.000000e+00 : f32
    %max3A_247 = vector.broadcast %max3A_246 : f32 to vector<1024x2048xf32>
    %max3A_248 = arith.maximumf %add3A_245, %max3A_247 : vector<1024x2048xf32>
    %get3A_249 = arith.constant 0 : index
    %get3A_250 = arith.constant 0 : index
    %get3A_251 = vector.load %arg18[%get3A_249, %get3A_250] : memref<32x2048xf32, #tpu.memory_space<vmem>>, vector<32x2048xf32>
    %dot_general3A_252 = arith.constant dense<0.000000e+00> : vector<1024x2048xf32>
    %dot_general3A_253 = tpu.matmul %mul3A_235, %get3A_251, %dot_general3A_252 {dimension_numbers = #tpu.dot_dimension_numbers<[1], [0], [0], [1], [0, 0, 1, 1], [], []>, transpose_lhs_hint = false} : vector<1024x32xf32>, vector<32x2048xf32>, vector<1024x2048xf32> -> vector<1024x2048xf32>
    %get3A_254 = arith.constant 0 : index
    %get3A_255 = arith.constant 0 : index
    %get3A_256 = vector.load %arg19[%get3A_254, %get3A_255] : memref<1x2048xf32, #tpu.memory_space<vmem>>, vector<1x2048xf32>
    %add3A_257 = vector.broadcast %get3A_256 : vector<1x2048xf32> to vector<1024x2048xf32>
    %add3A_258 = arith.addf %dot_general3A_253, %add3A_257 : vector<1024x2048xf32>
    %max3A_259 = arith.constant 0.000000e+00 : f32
    %max3A_260 = vector.broadcast %max3A_259 : f32 to vector<1024x2048xf32>
    %max3A_261 = arith.maximumf %add3A_258, %max3A_260 : vector<1024x2048xf32>
    %add3A_262 = arith.addf %max3A_248, %max3A_261 : vector<1024x2048xf32>
    %reshape3A_263 = vector.shape_cast %add3A_262 : vector<1024x2048xf32> to vector<64x16x2048xf32>
    %reduce_max3A_264 = arith.constant dense<0xFF800000> : vector<64x2048xf32>
    %reduce_max3A_265 = vector.multi_reduction <maximumf>, %reshape3A_263, %reduce_max3A_264 [1] : vector<64x16x2048xf32> to vector<64x2048xf32>
    %concatenate3A = tpu.concatenate %reduce_max3A_195, %reduce_max3A_265 in 0 : vector<64x2048xf32>, vector<64x2048xf32> -> vector<128x2048xf32>
    %dot_general3A_266 = arith.constant dense<0.000000e+00> : vector<288x2048xf32>
    %dot_general3A_267 = tpu.matmul %convert_element_type3A_71, %concatenate3A, %dot_general3A_266 {dimension_numbers = #tpu.dot_dimension_numbers<[1], [0], [0], [1], [0, 0, 1, 1], [], []>, transpose_lhs_hint = false} : vector<288x128xf32>, vector<128x2048xf32>, vector<288x2048xf32> -> vector<288x2048xf32>
    %add3A_268 = arith.addf %max3A_28, %dot_general3A_267 : vector<288x2048xf32>
    %reshape3A_269 = vector.shape_cast %add3A_268 : vector<288x2048xf32> to vector<36x8x2048xf32>
    %swap3A = arith.constant 0 : index
    %swap3A_270 = arith.constant 0 : index
    %swap3A_271 = arith.constant 0 : index
    %swap3A_272 = vector.load %arg20[%swap3A, %swap3A_270, %swap3A_271] : memref<36x8x2048xf32, #tpu.memory_space<vmem>>, vector<36x8x2048xf32>
    tpu.vector_store %arg20[%swap3A, %swap3A_270, %swap3A_271], %reshape3A_269 {strides = array<i32>} : memref<36x8x2048xf32, #tpu.memory_space<vmem>>, vector<36x8x2048xf32>,
    return
  }
  func.func @transform_0(%arg0: i32) -> (i32, i32) {
    %c0_i32 = arith.constant 0 : i32
    %c0_i32_0 = arith.constant 0 : i32
    return %arg0, %c0_i32 : i32, i32
  }
  func.func @transform_1(%arg0: i32) -> (i32, i32, i32) {
    %c0_i32 = arith.constant 0 : i32
    %c0_i32_0 = arith.constant 0 : i32
    %c0_i32_1 = arith.constant 0 : i32
    return %c0_i32, %arg0, %c0_i32_0 : i32, i32, i32
  }
  func.func @transform_2(%arg0: i32) -> (i32, i32) {
    %c0_i32 = arith.constant 0 : i32
    %c0_i32_0 = arith.constant 0 : i32
    return %arg0, %c0_i32 : i32, i32
  }
  func.func @transform_3(%arg0: i32) -> (i32, i32) {
    %c0_i32 = arith.constant 0 : i32
    %c0_i32_0 = arith.constant 0 : i32
    %c0_i32_1 = arith.constant 0 : i32
    return %c0_i32, %c0_i32_0 : i32, i32
  }
  func.func @transform_4(%arg0: i32) -> (i32, i32) {
    %c0_i32 = arith.constant 0 : i32
    %c0_i32_0 = arith.constant 0 : i32
    %c0_i32_1 = arith.constant 0 : i32
    return %c0_i32, %c0_i32_0 : i32, i32
  }
  func.func @transform_5(%arg0: i32) -> (i32, i32) {
    %c0_i32 = arith.constant 0 : i32
    %c0_i32_0 = arith.constant 0 : i32
    %c0_i32_1 = arith.constant 0 : i32
    return %c0_i32, %c0_i32_0 : i32, i32
  }
  func.func @transform_6(%arg0: i32) -> (i32, i32) {
    %c0_i32 = arith.constant 0 : i32
    %c0_i32_0 = arith.constant 0 : i32
    %c0_i32_1 = arith.constant 0 : i32
    return %c0_i32, %c0_i32_0 : i32, i32
  }
  func.func @transform_7(%arg0: i32) -> (i32, i32) {
    %c0_i32 = arith.constant 0 : i32
    %c0_i32_0 = arith.constant 0 : i32
    %c0_i32_1 = arith.constant 0 : i32
    return %c0_i32, %c0_i32_0 : i32, i32
  }
  func.func @transform_8(%arg0: i32) -> (i32, i32) {
    %c0_i32 = arith.constant 0 : i32
    %c0_i32_0 = arith.constant 0 : i32
    %c0_i32_1 = arith.constant 0 : i32
    return %c0_i32, %c0_i32_0 : i32, i32
  }
  func.func @transform_9(%arg0: i32) -> (i32, i32) {
    %c0_i32 = arith.constant 0 : i32
    %c0_i32_0 = arith.constant 0 : i32
    %c0_i32_1 = arith.constant 0 : i32
    return %c0_i32, %c0_i32_0 : i32, i32
  }
  func.func @transform_10(%arg0: i32) -> (i32, i32) {
    %c0_i32 = arith.constant 0 : i32
    %c0_i32_0 = arith.constant 0 : i32
    %c0_i32_1 = arith.constant 0 : i32
    return %c0_i32, %c0_i32_0 : i32, i32
  }
  func.func @transform_11(%arg0: i32) -> (i32, i32) {
    %c0_i32 = arith.constant 0 : i32
    %c0_i32_0 = arith.constant 0 : i32
    %c0_i32_1 = arith.constant 0 : i32
    return %c0_i32, %c0_i32_0 : i32, i32
  }
  func.func @transform_12(%arg0: i32) -> (i32, i32) {
    %c0_i32 = arith.constant 0 : i32
    %c0_i32_0 = arith.constant 0 : i32
    %c0_i32_1 = arith.constant 0 : i32
    return %c0_i32, %c0_i32_0 : i32, i32
  }
  func.func @transform_13(%arg0: i32) -> (i32, i32) {
    %c0_i32 = arith.constant 0 : i32
    %c0_i32_0 = arith.constant 0 : i32
    %c0_i32_1 = arith.constant 0 : i32
    return %c0_i32, %c0_i32_0 : i32, i32
  }
  func.func @transform_14(%arg0: i32) -> (i32, i32) {
    %c0_i32 = arith.constant 0 : i32
    %c0_i32_0 = arith.constant 0 : i32
    %c0_i32_1 = arith.constant 0 : i32
    return %c0_i32, %c0_i32_0 : i32, i32
  }
  func.func @transform_15(%arg0: i32) -> (i32, i32) {
    %c0_i32 = arith.constant 0 : i32
    %c0_i32_0 = arith.constant 0 : i32
    %c0_i32_1 = arith.constant 0 : i32
    return %c0_i32, %c0_i32_0 : i32, i32
  }
  func.func @transform_16(%arg0: i32) -> (i32, i32) {
    %c0_i32 = arith.constant 0 : i32
    %c0_i32_0 = arith.constant 0 : i32
    %c0_i32_1 = arith.constant 0 : i32
    return %c0_i32, %c0_i32_0 : i32, i32
  }
  func.func @transform_17(%arg0: i32) -> (i32, i32) {
    %c0_i32 = arith.constant 0 : i32
    %c0_i32_0 = arith.constant 0 : i32
    %c0_i32_1 = arith.constant 0 : i32
    return %c0_i32, %c0_i32_0 : i32, i32
  }
  func.func @transform_18(%arg0: i32) -> (i32, i32) {
    %c0_i32 = arith.constant 0 : i32
    %c0_i32_0 = arith.constant 0 : i32
    %c0_i32_1 = arith.constant 0 : i32
    return %c0_i32, %c0_i32_0 : i32, i32
  }
  func.func @transform_19(%arg0: i32) -> (i32, i32, i32) {
    %c0_i32 = arith.constant 0 : i32
    %c0_i32_0 = arith.constant 0 : i32
    %c0_i32_1 = arith.constant 0 : i32
    return %c0_i32, %arg0, %c0_i32_0 : i32, i32, i32
  }
}

</mosaic_0001>

<sc_bundles>
// kernel: gather_offload_async_start.1
scs
__scs_entry_jumppad:
0x0: {  	(pc) =	sbr.rel $0x88, $3  }
0x1: {  	(tag) =	ssettag $0x0;
	lr =	simm.s32 $0x1  }
0x2: {  	[smem:$0x3F8C] =	sst lr;
	_ =	strace $0xD0000000  }
0x3: {  	_ = 	snop  }
0x4: {  	_ = 	snop  }
0x5: {  	_ = 	snop  }
0x6: {  	_ = 	snop  }
0x7: {  	_ = 	snop  }
__scs_overlays_trampoline_lowered:
0x8: {  	[smem:$0x3F9B] =	sst s0  }
0x9: {  	[smem:$0x3F9C] =	sst s1  }
0xa: {  	[smem:$0x3F9D] =	sst s2  }
0xb: {  	[smem:$0x3F9E] =	sst s3  }
0xc: {  	[smem:$0x3F9F] =	sst s4  }
0xd: {  	[smem:$0x3FA0] =	sst s5  }
0xe: {  	[smem:$0x3FA1] =	sst s6  }
0xf: {  	[smem:$0x3FA2] =	sst s7  }
0x10: {  	[smem:$0x3FA3] =	sst s8  }
0x11: {  	[smem:$0x3FA4] =	sst s9;
	s0 =	simm.s32 @!p0 $0x0  }
0x12: {  	s1 =	sld [smem:$0x3F8A];
	s0 =	simm.s32 @p0 $0x1  }
0x13: {  	[smem:$0x3FA5] =	sst s0;
	s0 =	simm.s32 @!p1 $0x0  }
0x14: {  	s2 =	sld [smem:$0x3F89];
	s0 =	simm.s32 @p1 $0x1  }
0x15: {  	[smem:$0x3FA6] =	sst s0;
	s0 =	simm.s32 @!p2 $0x0  }
0x16: {  	s3 =	sld [smem:$0x3FDB];
	s0 =	simm.s32 @p2 $0x1  }
0x17: {  	s4 =	simm.s32 $0x1BF5;
	[smem:$0x3FA8] =	sst s0  }
0x18: {  	s0 =	sld [smem:$0x3F8B];
	_ =	swait.ge [sflag:s4], $0x0  }
0x19: {  	s7 =	sld [smem:$0x3F8C]  }
0x1a: {  	s8 =	sadd.s32 $0xFFFFE003, lr  }
0x1b: {  	s9 =	sadd.s32 $0xFFFFFEF7, lr;
	s5 =	simm.s32 $0xFFFFFFFF;
	p2 =	slt.u32 s8, $0xFFFFF086  }
0x1c: {  	p1 =	slt.u32 s9, $0xF7A;
	s5 =	simm.s32 @!p2 $0x0  }
0x1d: {  	s5 =	simm.s32 @p1 $0x1;
	p0 =	seq.s32 s7, s2  }
0x1e: {  	s7 =	smul.u32 @!p0 $0xF7A, s2;
	p2 =	seq.s32 @!p0 s5, $0x0  }
0x1f: {  	s9 =	smul.u32 $0xF7A, s1;
	s8 =	simm.s32 @!p0 $0x1BF5;
	p2 =	por !p2, p0  }
0x20: {  	[sflag:s8] =	ssyncset.s32 @!p0 $0xFFFFF086;
	s6 =	sadd.s32 @!p0 s3, s7;
	s7 =	simm.s32 @!p0 $0x108  }
0x21: {  	s3 =	sadd.s32 s3, s9;
	s6 =	sadd.s32 @!p0 $0x88, s6;
	s7 =	simm.s32 @p2 $0x1082  }
0x22: {  	[simem:s7], [sflag:s8] =	dma.local @!p0 [hbm:s6], $0xF7A  }
0x23: {  	s9 =	sor.u32 $0xD0000000, s2;
	s6 =	simm.s32 $0x108;
	_ =	swait.ge @!p0 [sflag:s8], $0x0  }
0x24: {  	s3 =	sadd.s32 $0x88, s3;
	s6 =	simm.s32 @!p1 $0x1082;
	[sflag:s4] =	ssyncset.s32 $0xFFFFF086  }
0x25: {  	[simem:s6], [sflag:s4] =	dma.local [hbm:s3], $0xF7A  }
0x26: {  	[smem:$0x3F8C] =	sst s1;
	(tag) =	ssettag s2;
	_ =	strace s9  }
0x27: {  	s1 =	sld [smem:$0x3F9C]  }
0x28: {  	s2 =	sld [smem:$0x3F9D]  }
0x29: {  	s4 =	sld [smem:$0x3F9F]  }
0x2a: {  	p0 =	seq.s32 s5, $0x0;
	s5 =	sld [smem:$0x3FA0]  }
0x2b: {  	s6 =	sld [smem:$0x3FA1]  }
0x2c: {  	s7 =	sld [smem:$0x3FA2]  }
0x2d: {  	s3 =	simm.s32 $0x108;
	s8 =	sld [smem:$0x3FA3]  }
0x2e: {  	s3 =	simm.s32 @!p0 $0x1082;
	s9 =	sld [smem:$0x3FA4]  }
0x2f: {  	lr =	sadd.s32 s0, s3;
	s0 =	sld [smem:$0x3F9B]  }
0x30: {  	s3 =	sld [smem:$0x3F9E]  }
0x31: {  	[smem:$0x3FA7] =	sst s10  }
0x32: {  	s10 =	sld [smem:$0x3FA5];
	_ =	sdelay $0x3  }
0x33: {  	p0 =	seq.s32 s10, $0x1;
	s10 =	sld [smem:$0x3FA7];
	_ =	sdelay $0x3  }
0x34: {  	[smem:$0x3FA7] =	sst s10  }
0x35: {  	s10 =	sld [smem:$0x3FA6];
	_ =	sdelay $0x3  }
0x36: {  	p1 =	seq.s32 s10, $0x1;
	s10 =	sld [smem:$0x3FA7];
	_ =	sdelay $0x3  }
0x37: {  	[smem:$0x3FA7] =	sst s10  }
0x38: {  	s10 =	sld [smem:$0x3FA8]  }
0x39: {  	_ = 	snop;
	(pc) =	sbr.ind lr, $3  }
0x3a: {  	_ = 	snop  }
0x3b: {  	_ = 	snop  }
0x3c: {  	p2 =	seq.s32 s10, $0x1;
	s10 =	sld [smem:$0x3FA7]  }
0x3d: {  	_ =	shalt  }
0x3e: {  	_ =	shalt  }
0x3f: {  	_ =	shalt  }
0x40: {  	_ =	shalt  }
0x41: {  	_ =	shalt  }
0x42: {  	_ =	shalt  }
0x43: {  	_ =	shalt  }
0x44: {  	_ =	shalt  }
0x45: {  	_ =	shalt  }
0x46: {  	_ =	shalt  }
0x47: {  	_ =	shalt  }
0x48: {  	_ =	shalt  }
0x49: {  	_ =	shalt  }
0x4a: {  	_ =	shalt  }
0x4b: {  	_ =	shalt  }
0x4c: {  	_ =	shalt  }
0x4d: {  	_ =	shalt  }
0x4e: {  	_ =	shalt  }
0x4f: {  	_ =	shalt  }
0x50: {  	_ =	shalt  }
0x51: {  	_ =	shalt  }
0x52: {  	_ =	shalt  }
0x53: {  	_ =	shalt  }
0x54: {  	_ =	shalt  }
0x55: {  	_ =	shalt  }
0x56: {  	_ =	shalt  }
0x57: {  	_ =	shalt  }
0x58: {  	_ =	shalt  }
0x59: {  	_ =	shalt  }
0x5a: {  	_ =	shalt  }
0x5b: {  	_ =	shalt  }
0x5c: {  	_ =	shalt  }
0x5d: {  	_ =	shalt  }
0x5e: {  	_ =	shalt  }
0x5f: {  	_ =	shalt  }
0x60: {  	_ =	shalt  }
0x61: {  	_ =	shalt  }
0x62: {  	_ =	shalt  }
0x63: {  	_ =	shalt  }
0x64: {  	_ =	shalt  }
0x65: {  	_ =	shalt  }
0x66: {  	_ =	shalt  }
0x67: {  	_ =	shalt  }
0x68: {  	_ =	shalt  }
0x69: {  	_ =	shalt  }
0x6a: {  	_ =	shalt  }
0x6b: {  	_ =	shalt  }
0x6c: {  	_ =	shalt  }
0x6d: {  	_ =	shalt  }
0x6e: {  	_ =	shalt  }
0x6f: {  	_ =	shalt  }
0x70: {  	_ =	shalt  }
0x71: {  	_ =	shalt  }
0x72: {  	_ =	shalt  }
0x73: {  	_ =	shalt  }
0x74: {  	_ =	shalt  }
0x75: {  	_ =	shalt  }
0x76: {  	_ =	shalt  }
0x77: {  	_ =	shalt  }
0x78: {  	_ =	shalt  }
0x79: {  	_ =	shalt  }
0x7a: {  	_ =	shalt  }
0x7b: {  	_ =	shalt  }
0x7c: {  	_ =	shalt  }
0x7d: {  	_ =	shalt  }
0x7e: {  	_ =	shalt  }
0x7f: {  	_ =	shalt  }
0x80: {  	_ =	shalt  }
0x81: {  	_ =	shalt  }
0x82: {  	_ =	shalt  }
0x83: {  	_ =	shalt  }
0x84: {  	_ =	shalt  }
0x85: {  	_ =	shalt  }
0x86: {  	_ =	shalt  }
0x87: {  	_ =	shalt  }
.Lfunc_end0:
.L_simem_size_0:
called_computation.1_lowered:
.L_overlay_start_0:
0x88: {  	s2 =	sld [smem:$0x3FD9]  }
0x89: {  	s3 =	sld [smem:$0x3FFE];
	_ =	sdelay $0x1  }
0x8a: {  	s1 =	srdreg.scid  }
0x8b: {  	s0 =	sand.u32 $0x1, s1  }
0x8c: {  	s16 =	sshll.u32 s0, $0xA;
	s2 =	sadd.s32 s3, s2  }
0x8d: {  	s2 =	sadd.s32 s2, s16  }
0x8e: {  	[smem:$0x3FB3] =	sst s2  }
0x8f: {  	_ = 	snop  }
0x90: {  	(tm) =	ssettm $0x1  }
0x91: {  	s17 =	sld [smem:$0x3FFB];
	_ =	sdelay $0x3  }
0x92: {  	_ =	strace s17  }
0x93: {  	s2 =	sld [smem:$0x3FFC];
	_ =	sdelay $0x3  }
0x94: {  	_ =	strace s2  }
0x95: {  	s2 =	sld [smem:$0x3FFD];
	_ =	sdelay $0x3  }
0x96: {  	_ =	strace s2  }
0x97: {  	_ =	strace $0x8FFFFFFF  }
0x98: {  	s18 =	sld [smem:$0x3FDB];
	_ =	sdelay $0x1  }
0x99: {  	s19 =	simm.s32 $_scs_section_size  }
0x9a: {  	s4 =	simm.s32 $_size__tile_overlayer_lowered;
	s5 =	simm.s32 $_tile_overlayer_lowered  }
0x9b: {  	s22 =	simm.s32 $0x1BFF;
	s21 =	sshll.u32 s5, $0x1;
	s2 =	sadd.s32 s19, s18  }
0x9c: {  	s6 =	simm.s32 $0x0;
	s20 =	sshll.u32 s4, $0x1;
	s4 =	sadd.s32 s21, s2  }
0x9d: {  	[timem:s6], [sflag:s22] =	dma.local [hbm:s4], s20  }
0x9e: {  	_ =	swait.ge [sflag:s22], s20  }
0x9f: {  	s3 =	ssub.s32 $0x0, s20;
	[sflag:s22] =	ssyncset.done $0x0  }
0xa0: {  	[sflag:s22] =	ssyncadd.s32 s3;
	_ =	sdelay $0x1  }
0xa1: {  	s23 =	simm.s32 $0x1B8B  }
0xa2: {  	_ =	swait.ge [sflag:s23], $0x1  }
0xa3: {  	[sflag:s23] =	ssyncset.done $0x0  }
0xa4: {  	s25 =	simm.s32 $0x1B8E;
	s24 =	sld [smem:$0x3FFE];
	[sflag:s23] =	ssyncadd.s32 $0xFFFFFFFF  }
0xa5: {  	s26 =	simm.s32 $execute0_lowered;
	[smem:$0x3FD2] =	sst s25  }
0xa6: {  	s4 =	sshll.u32 s26, $0x1;
	_ =	strace $0x80000046;
	[dreg:$0x1] =	wrdreg $0xFFFFFFFF  }
0xa7: {  	s28 =	simm.s32 $_size_execute0_lowered;
	s2 =	sadd.s32 s2, s4;
	[dreg:$0x0] =	wrdreg $0x0  }
0xa8: {  	s4 =	sshll.u32 s28, $0x1;
	[dreg:$0x2] =	wrdreg s2  }
0xa9: {  	[dreg:$0x3] =	wrdreg s4  }
0xaa: {  	[dreg:$0x4] =	wrdreg $0xC0  }
0xab: {  	_ =	task [dreg:s6], $0x5FFFF  }
0xac: {  	[dreg:$0x1] =	wrdreg $0xFFFFFFFF  }
0xad: {  	[dreg:$0x0] =	wrdreg $0x60  }
0xae: {  	[dreg:$0x2] =	wrdreg s24  }
0xaf: {  	[dreg:$0x3] =	wrdreg $0xA  }
0xb0: {  	_ =	task.clear_ibuf [dreg:s6], $0x4FFFF;
	_ =	strace $0x90000046  }
0xb1: {  	s29 =	simm.s32 $0xA;
	_ =	strace $0x80000048  }
0xb2: {  	_ =	swait.ge [sflag:s29], $0x1  }
0xb3: {  	[sflag:s29] =	ssyncadd.s32 $0xFFFFFFFF  }
0xb4: {  	_ =	strace $0x90000048  }
0xb5: {  	_ =	sfence  }
0xb6: {  	s30 =	sld [smem:$0x0];
	_ =	sdelay $0x2  }
0xb7: {  	s31 =	sshll.u32 s1, $0xD;
	s1 =	sshrl.u32 s1, $0x2  }
0xb8: {  	s3 =	sand.u32 $0x4000, s31;
	s1 =	sadd.s32 s1, s30  }
0xb9: {  	s0 =	sor.u32 s3, s0;
	s1 =	sshll.u32 s1, $0x11  }
0xba: {  	s0 =	sor.u32 s1, s0  }
0xbb: {  	s0 =	sadd.s32 $0x8F2B, s0  }
0xbc: {  	[sflag:s0] =	ssyncadd.remote.s32 $0x1  }
0xbd: {  	_ =	sfence.sel $0xFFFF  }
0xbe: {  	[dreg:$0x0] =	wrdreg $0xFFFFFFFF;
	(pc) =	sbr.abs _section_cstart, $3  }
0xbf: {  	[dreg:$0x1] =	wrdreg $0xFFFFFFFF  }
0xc0: {  	_ =	task.clear_ibuf [dreg:s6], $0x2FFFF;
	_ =	strace $0x9FFFFFFF  }
0xc1: {  	(tm) =	ssettm $0x7FFFFFFF  }
tec
execute0_lowered:
.L_overlay_start_1:
0x0: {  	(tag) =	ssettag $0x1  }
0x1: {  	s0 =	srdreg.scid  }
0x2: {  	s1 =	sshll.u32 s0, $0x4  }
0x3: {  	s0 =	stileid.u32;
	s1 =	sand.u32 $0x10, s1  }
0x4: {  	s1 =	sor.u32 s0, s1  }
0x5: {  	s9 =	rddreg [dreg:$0x0];
	s6 =	simm.s32 $0x1;
	s2 =	smin.u32 s1, $0x4  }
0x6: {  	p0 =	slt.u32 s1, $0x4;
	s2 =	sadd.s32 s1, s2;
	s1 =	simm.s32 $0x80  }
0x7: {  	s7 =	simm.s32 $0x2;
	s2 =	sshll.u32 s2, $0x6;
	s1 =	simm.s32 @!p0 $0x40  }
0x8: {  	s10 =	simm.s32 $0x3;
	s13 =	simm.s32 $0x0;
	s3 =	sadd.s32 s1, s2  }
0x9: {  	s12 =	simm.s32 $0x0;
	s4 =	sadd.s32 $0x3600, s9;
	s3 =	smin.u32 s3, $0x900  }
.Ltmp0:
0xa: {  	s5 =	sadd.s32 $0x3400, s9;
	s8 =	ssub.s32 s3, s2;
	(pc) =	sbr.rel .LBB2_1-.Ltmp0, $4  }
0xb: {  	s1 =	rddreg [dreg:$0x1];
	_ =	strace $0x80000047;
	p0 =	sgt.s32 s8, $0x0  }
0xc: {  	s9 =	sadd.s32 $0xC600, s9;
	[sflag:s6] =	ssyncpa.u1 $0x0;
	s8 =	simm.s32 @!p0 $0x0  }
0xd: {  	s11 =	smov.u32 s2;
	[sflag:s7] =	ssyncpa.u1 $0x0;
	s8 =	sshrl.u32 s8, $0x6  }
0xe: {  	vm0 =	vmmov $0xff;
	vm1 =	vcmask $0x3F20;
	[sflag:s10] =	ssyncpa.u1 $0x0;
	p0 =	por $0x0, $0x0;
	s10 =	sadd.s32 $0x1, s8  }
.LBB2_6:
0xf: {  	[hbm:s17] =	stream.linear.scatter [tilespmem:s14], [sflag:$0x3], $0x400, $0x38;
	[tilespmem:$0x4080] =	vst v63  }
.LBB2_7:
0x10: {  	s13 =	sadd.s32 $0x40, s11  }
0x11: {  	s15 =	smov.u32 s2;
	p2 =	slt.s32 s13, s3  }
0x12: {  	s15 =	smov.u32 @p2 s13;
	p2 =	sne.s32 s12, s10  }
.Ltmp1:
0x13: {  	p1 =	slt.u32 s12, $0x2;
	(pc) =	sbr.rel @!p2 .LBB2_8-.Ltmp1, $4  }
0x14: {  	s14 =	simm.s32 @!p1 $0x3  }
0x15: {  	s16 =	sadd.s32 $0x1, s12;
	_ =	swait.ge @!p1 [sflag:s14], $0x2000  }
0x16: {  	p0 =	por !p0, !p0;
	s13 =	smov.u32 s11;
	[sflag:s14] =	ssyncset.done @!p1 $0x0  }
0x17: {  	s12 =	smov.u32 s16;
	s11 =	smov.u32 s15;
	[sflag:s14] =	ssyncadd.s32 @!p1 $0xFFFFE000  }
.LBB2_1:
0x18: {  	p1 =	sge.u32 s12, s8  }
0x19: {  	s14 =	sxor.u32 @!p1 $0xFFFFFFFF, s12  }
0x1a: {  	s31 =	sadd.s32 $0xFFFFFFFF, s12;
	s15 =	sshrl.u32 @!p1 s11, $0x3;
	s14 =	sshll.u32 @!p1 s14, $0x6  }
0x1b: {  	s16 =	sand.u32 @!p1 $0x7, s11;
	s15 =	sadd.s32 @!p1 s5, s15;
	s14 =	sand.u32 @!p1 $0x40, s14  }
0x1c: {  	[tilespmem:s14], [sflag:$0x2] =	stream.linear.gather @!p1 [hbm4b:s15+s16], $0x40, $0x38;
	[tilespmem:$0x4080] =	vst v63  }
0x1d: {  	p1 =	sge.u32 s31, s8  }
.Ltmp2:
0x1e: {  	_ = 	snop;
	(pc) =	sbr.rel @p1 .LBB2_7-.Ltmp2, $1  }
0x1f: {  	_ =	sdelay $0x3  }
0x20: {  	s14 =	simm.s32 $0x1  }
0x21: {  	_ =	swait.ge [sflag:s7], $0x40;
	s14 =	simm.s32 @!p0 $0x0  }
0x22: {  	[sflag:s7] =	ssyncset.done $0x0;
	s16 =	sshll.u32 s14, $0x6  }
0x23: {  	[sflag:s7] =	ssyncadd.s32 $0xFFFFFFC0;
	s15 =	sadd.s32 $0x0, s16  }
0x24: {  	v0 =	vld.msk [tilespmem:s15+$0x0 ss:$0x1], $0xffff;
	_ =	sdelay $0x4  }
0x25: {  	vm2 =	vgt.s32 v0, $0x0  }
0x26: {  	v0 =	vnsel vm2, $0x0, v0  }
0x27: {  	v0 =	vmin.u32 v0, $0x8FF  }
0x28: {  	v0 =	vshll.u32 v0, $0x4;
	_ =	sdelay $0x2  }
0x29: {  	s14 =	sshll.u32 s14, $0xD  }
0x2a: {  	s14 =	sor.u32 $0x80, s14  }
0x2b: {  	[tilespmem:s14], [sflag:$0x1] =	stream.indirect_vreg.gather [hbm:s4], $0x80, v0, vm0, $0x38;
	[tilespmem:$0x4080] =	vst v63  }
0x2c: {  	s17 =	sadd.s32 $0x10, s16;
	s15 =	sadd.s32 $0x400, s14  }
0x2d: {  	[tilespmem:s15], [sflag:$0x1] =	stream.indirect_vreg.gather [hbm:s4], $0x80, v0, vm1, $0x38;
	[tilespmem:$0x4080] =	vst v63  }
0x2e: {  	s18 =	simm.s32 $0x80;
	v0 =	vld.msk [tilespmem:s17+$0x0 ss:$0x1], $0xffff;
	s17 =	smov.u32 s14  }
.LBB2_3:
0x2f: {  	p1 =	sne.s32 s18, $0xC0;
	_ =	sdelay $0x4  }
0x30: {  	vm2 =	vgt.s32 v0, $0x0  }
0x31: {  	v0 =	vnsel vm2, $0x0, v0  }
0x32: {  	v0 =	vmin.u32 v0, $0x8FF  }
0x33: {  	v0 =	vshll.u32 v0, $0x4;
	_ =	sdelay $0x3  }
.Ltmp3:
0x34: {  	s19 =	sshra.s32 s18, $0x2;
	s17 =	sadd.s32 $0x800, s17;
	(pc) =	sbr.rel @p1 .LBB2_3-.Ltmp3, $4  }
0x35: {  	[tilespmem:s17], [sflag:$0x1] =	stream.indirect_vreg.gather [hbm:s4], $0x80, v0, vm0, $0x38;
	[tilespmem:$0x4080] =	vst v63  }
0x36: {  	s19 =	sadd.s32 s19, s16;
	s20 =	sadd.s32 $0x400, s17  }
0x37: {  	[tilespmem:s20], [sflag:$0x1] =	stream.indirect_vreg.gather [hbm:s4], $0x80, v0, vm1, $0x38;
	[tilespmem:$0x4080] =	vst v63  }
0x38: {  	s18 =	sadd.s32 $0x40, s18;
	v0 =	vld.msk [tilespmem:s19+$0x0 ss:$0x1], $0xffff  }
0x39: {  	_ =	sdelay $0x3  }
0x3a: {  	vm2 =	vgt.s32 v0, $0x0  }
0x3b: {  	v0 =	vnsel vm2, $0x0, v0  }
0x3c: {  	v0 =	vmin.u32 v0, $0x8FF  }
0x3d: {  	v0 =	vshll.u32 v0, $0x4;
	_ =	sdelay $0x3  }
0x3e: {  	s16 =	sadd.s32 $0x800, s17  }
0x3f: {  	[tilespmem:s16], [sflag:$0x1] =	stream.indirect_vreg.gather [hbm:s4], $0x80, v0, vm0, $0x38;
	[tilespmem:$0x4080] =	vst v63  }
0x40: {  	s16 =	sadd.s32 $0x400, s16  }
0x41: {  	[tilespmem:s16], [sflag:$0x1] =	stream.indirect_vreg.gather [hbm:s4], $0x80, v0, vm1, $0x38;
	[tilespmem:$0x4080] =	vst v63  }
0x42: {  	s13 =	sshll.u32 s13, $0x4;
	_ =	swait.ge [sflag:s6], $0x2000  }
0x43: {  	s13 =	sadd.s32 s13, s9;
	[sflag:s6] =	ssyncset.done $0x0  }
0x44: {  	s17 =	sadd.s32 $0x0, s13;
	s16 =	simm.s32 $0x80;
	[sflag:s6] =	ssyncadd.s32 $0xFFFFE000  }
.LBB2_5:
0x45: {  	[hbm:s17] =	stream.linear.scatter [tilespmem:s14], [sflag:$0x3], $0x400, $0x38;
	[tilespmem:$0x4080] =	vst v63  }
0x46: {  	s17 =	smov.u32 s16;
	s14 =	smov.u32 s15;
	p1 =	sne.s32 s16, $0x380  }
.Ltmp4:
0x47: {  	s16 =	sadd.s32 $0x80, s16;
	(pc) =	sbr.rel @p1 .LBB2_5-.Ltmp4, $2  }
0x48: {  	_ =	sdelay $0x2  }
0x49: {  	s15 =	sadd.s32 $0x400, s15;
	s17 =	sadd.s32 s17, s13  }
.Ltmp5:
0x4a: {  	_ = 	snop;
	(pc) =	sbr.rel .LBB2_6-.Ltmp5, $1  }
0x4b: {  	_ =	sdelay $0x3  }
.LBB2_8:
0x4c: {  	_ =	sfence.sel $0x180000  }
0x4d: {  	s2 =	simm.s32 $0x2;
	[bflag:$0x0] =	sbarrier.arrive $0xFFFF  }
0x4e: {  	s30 =	simm.s32 $0x3;
	[sflag:s2] =	ssyncpa.u1 $0x1  }
0x4f: {  	s31 =	simm.s32 $0x1;
	[sflag:s30] =	ssyncpa.u1 $0x1  }
0x50: {  	[sflag:s31] =	ssyncpa.u1 $0x1  }
0x51: {  	p0 =	sne.s32 s0, $0x0;
	_ =	strace $0x90000047  }
0x52: {  	s0 =	sadd.s32 @!p0 $0x100000, s1;
	[bflag:$0x2] =	sbarrier.arrive $0xFFFF  }
0x53: {  	[sflag:s0] =	ssyncadd.tile.s32 @!p0 $0x1;
	_ =	shalt  }
.Lfunc_end2:
_tile_overlayer_lowered:
.L_overlay_start_2:
0x54: {  	(tag) =	ssettag $0x2  }
0x55: {  	s0 =	rddreg [dreg:$0x0];
	s2 =	stileid.u32  }
0x56: {  	s1 =	rddreg [dreg:$0x1];
	p0 =	sne.s32 s2, $0x0  }
0x57: {  	s3 =	rddreg [dreg:$0x2];
	[bflag:$0x3] =	sbarrier.arrive $0xFFFF;
	s2 =	simm.s32 @!p0 $0x1C01  }
0x58: {  	[timem:s3], [sflag:s2] =	dma.local @!p0 [hbm:s0], s1  }
0x59: {  	s0 =	simm.s32 @!p0 $0x1  }
0x5a: {  	_ =	swait.ge @!p0 [sflag:s0], s1  }
0x5b: {  	s1 =	ssub.s32 @!p0 $0x0, s1;
	[sflag:s0] =	ssyncset.done @!p0 $0x0  }
0x5c: {  	[sflag:s0] =	ssyncadd.s32 @!p0 s1  }
0x5d: {  	[bflag:$0x3] =	sbarrier.arrive $0xFFFF  }
0x5e: {  	_ =	shalt  }

// kernel: gather_offload_async_start
scs
__scs_entry_jumppad:
0x0: {  	(pc) =	sbr.rel $0x88, $3  }
0x1: {  	(tag) =	ssettag $0x0;
	lr =	simm.s32 $0x1  }
0x2: {  	[smem:$0x3F8C] =	sst lr;
	_ =	strace $0xD0000000  }
0x3: {  	_ = 	snop  }
0x4: {  	_ = 	snop  }
0x5: {  	_ = 	snop  }
0x6: {  	_ = 	snop  }
0x7: {  	_ = 	snop  }
__scs_overlays_trampoline_lowered:
0x8: {  	[smem:$0x3F9B] =	sst s0  }
0x9: {  	[smem:$0x3F9C] =	sst s1  }
0xa: {  	[smem:$0x3F9D] =	sst s2  }
0xb: {  	[smem:$0x3F9E] =	sst s3  }
0xc: {  	[smem:$0x3F9F] =	sst s4  }
0xd: {  	[smem:$0x3FA0] =	sst s5  }
0xe: {  	[smem:$0x3FA1] =	sst s6  }
0xf: {  	[smem:$0x3FA2] =	sst s7  }
0x10: {  	[smem:$0x3FA3] =	sst s8  }
0x11: {  	[smem:$0x3FA4] =	sst s9;
	s0 =	simm.s32 @!p0 $0x0  }
0x12: {  	s1 =	sld [smem:$0x3F8A];
	s0 =	simm.s32 @p0 $0x1  }
0x13: {  	[smem:$0x3FA5] =	sst s0;
	s0 =	simm.s32 @!p1 $0x0  }
0x14: {  	s2 =	sld [smem:$0x3F89];
	s0 =	simm.s32 @p1 $0x1  }
0x15: {  	[smem:$0x3FA6] =	sst s0;
	s0 =	simm.s32 @!p2 $0x0  }
0x16: {  	s3 =	sld [smem:$0x3FDB];
	s0 =	simm.s32 @p2 $0x1  }
0x17: {  	s4 =	simm.s32 $0x1BF5;
	[smem:$0x3FA8] =	sst s0  }
0x18: {  	s0 =	sld [smem:$0x3F8B];
	_ =	swait.ge [sflag:s4], $0x0  }
0x19: {  	s7 =	sld [smem:$0x3F8C]  }
0x1a: {  	s8 =	sadd.s32 $0xFFFFE003, lr  }
0x1b: {  	s9 =	sadd.s32 $0xFFFFFEF7, lr;
	s5 =	simm.s32 $0xFFFFFFFF;
	p2 =	slt.u32 s8, $0xFFFFF086  }
0x1c: {  	p1 =	slt.u32 s9, $0xF7A;
	s5 =	simm.s32 @!p2 $0x0  }
0x1d: {  	s5 =	simm.s32 @p1 $0x1;
	p0 =	seq.s32 s7, s2  }
0x1e: {  	s7 =	smul.u32 @!p0 $0xF7A, s2;
	p2 =	seq.s32 @!p0 s5, $0x0  }
0x1f: {  	s9 =	smul.u32 $0xF7A, s1;
	s8 =	simm.s32 @!p0 $0x1BF5;
	p2 =	por !p2, p0  }
0x20: {  	[sflag:s8] =	ssyncset.s32 @!p0 $0xFFFFF086;
	s6 =	sadd.s32 @!p0 s3, s7;
	s7 =	simm.s32 @!p0 $0x108  }
0x21: {  	s3 =	sadd.s32 s3, s9;
	s6 =	sadd.s32 @!p0 $0x88, s6;
	s7 =	simm.s32 @p2 $0x1082  }
0x22: {  	[simem:s7], [sflag:s8] =	dma.local @!p0 [hbm:s6], $0xF7A  }
0x23: {  	s9 =	sor.u32 $0xD0000000, s2;
	s6 =	simm.s32 $0x108;
	_ =	swait.ge @!p0 [sflag:s8], $0x0  }
0x24: {  	s3 =	sadd.s32 $0x88, s3;
	s6 =	simm.s32 @!p1 $0x1082;
	[sflag:s4] =	ssyncset.s32 $0xFFFFF086  }
0x25: {  	[simem:s6], [sflag:s4] =	dma.local [hbm:s3], $0xF7A  }
0x26: {  	[smem:$0x3F8C] =	sst s1;
	(tag) =	ssettag s2;
	_ =	strace s9  }
0x27: {  	s1 =	sld [smem:$0x3F9C]  }
0x28: {  	s2 =	sld [smem:$0x3F9D]  }
0x29: {  	s4 =	sld [smem:$0x3F9F]  }
0x2a: {  	p0 =	seq.s32 s5, $0x0;
	s5 =	sld [smem:$0x3FA0]  }
0x2b: {  	s6 =	sld [smem:$0x3FA1]  }
0x2c: {  	s7 =	sld [smem:$0x3FA2]  }
0x2d: {  	s3 =	simm.s32 $0x108;
	s8 =	sld [smem:$0x3FA3]  }
0x2e: {  	s3 =	simm.s32 @!p0 $0x1082;
	s9 =	sld [smem:$0x3FA4]  }
0x2f: {  	lr =	sadd.s32 s0, s3;
	s0 =	sld [smem:$0x3F9B]  }
0x30: {  	s3 =	sld [smem:$0x3F9E]  }
0x31: {  	[smem:$0x3FA7] =	sst s10  }
0x32: {  	s10 =	sld [smem:$0x3FA5];
	_ =	sdelay $0x3  }
0x33: {  	p0 =	seq.s32 s10, $0x1;
	s10 =	sld [smem:$0x3FA7];
	_ =	sdelay $0x3  }
0x34: {  	[smem:$0x3FA7] =	sst s10  }
0x35: {  	s10 =	sld [smem:$0x3FA6];
	_ =	sdelay $0x3  }
0x36: {  	p1 =	seq.s32 s10, $0x1;
	s10 =	sld [smem:$0x3FA7];
	_ =	sdelay $0x3  }
0x37: {  	[smem:$0x3FA7] =	sst s10  }
0x38: {  	s10 =	sld [smem:$0x3FA8]  }
0x39: {  	_ = 	snop;
	(pc) =	sbr.ind lr, $3  }
0x3a: {  	_ = 	snop  }
0x3b: {  	_ = 	snop  }
0x3c: {  	p2 =	seq.s32 s10, $0x1;
	s10 =	sld [smem:$0x3FA7]  }
0x3d: {  	_ =	shalt  }
0x3e: {  	_ =	shalt  }
0x3f: {  	_ =	shalt  }
0x40: {  	_ =	shalt  }
0x41: {  	_ =	shalt  }
0x42: {  	_ =	shalt  }
0x43: {  	_ =	shalt  }
0x44: {  	_ =	shalt  }
0x45: {  	_ =	shalt  }
0x46: {  	_ =	shalt  }
0x47: {  	_ =	shalt  }
0x48: {  	_ =	shalt  }
0x49: {  	_ =	shalt  }
0x4a: {  	_ =	shalt  }
0x4b: {  	_ =	shalt  }
0x4c: {  	_ =	shalt  }
0x4d: {  	_ =	shalt  }
0x4e: {  	_ =	shalt  }
0x4f: {  	_ =	shalt  }
0x50: {  	_ =	shalt  }
0x51: {  	_ =	shalt  }
0x52: {  	_ =	shalt  }
0x53: {  	_ =	shalt  }
0x54: {  	_ =	shalt  }
0x55: {  	_ =	shalt  }
0x56: {  	_ =	shalt  }
0x57: {  	_ =	shalt  }
0x58: {  	_ =	shalt  }
0x59: {  	_ =	shalt  }
0x5a: {  	_ =	shalt  }
0x5b: {  	_ =	shalt  }
0x5c: {  	_ =	shalt  }
0x5d: {  	_ =	shalt  }
0x5e: {  	_ =	shalt  }
0x5f: {  	_ =	shalt  }
0x60: {  	_ =	shalt  }
0x61: {  	_ =	shalt  }
0x62: {  	_ =	shalt  }
0x63: {  	_ =	shalt  }
0x64: {  	_ =	shalt  }
0x65: {  	_ =	shalt  }
0x66: {  	_ =	shalt  }
0x67: {  	_ =	shalt  }
0x68: {  	_ =	shalt  }
0x69: {  	_ =	shalt  }
0x6a: {  	_ =	shalt  }
0x6b: {  	_ =	shalt  }
0x6c: {  	_ =	shalt  }
0x6d: {  	_ =	shalt  }
0x6e: {  	_ =	shalt  }
0x6f: {  	_ =	shalt  }
0x70: {  	_ =	shalt  }
0x71: {  	_ =	shalt  }
0x72: {  	_ =	shalt  }
0x73: {  	_ =	shalt  }
0x74: {  	_ =	shalt  }
0x75: {  	_ =	shalt  }
0x76: {  	_ =	shalt  }
0x77: {  	_ =	shalt  }
0x78: {  	_ =	shalt  }
0x79: {  	_ =	shalt  }
0x7a: {  	_ =	shalt  }
0x7b: {  	_ =	shalt  }
0x7c: {  	_ =	shalt  }
0x7d: {  	_ =	shalt  }
0x7e: {  	_ =	shalt  }
0x7f: {  	_ =	shalt  }
0x80: {  	_ =	shalt  }
0x81: {  	_ =	shalt  }
0x82: {  	_ =	shalt  }
0x83: {  	_ =	shalt  }
0x84: {  	_ =	shalt  }
0x85: {  	_ =	shalt  }
0x86: {  	_ =	shalt  }
0x87: {  	_ =	shalt  }
.Lfunc_end0:
.L_simem_size_0:
called_computation_lowered:
.L_overlay_start_0:
0x88: {  	s2 =	sld [smem:$0x3FD9]  }
0x89: {  	s3 =	sld [smem:$0x3FFE];
	_ =	sdelay $0x1  }
0x8a: {  	s1 =	srdreg.scid  }
0x8b: {  	s0 =	sand.u32 $0x1, s1  }
0x8c: {  	s17 =	sshll.u32 s0, $0xA;
	s2 =	sadd.s32 s3, s2  }
0x8d: {  	s2 =	sadd.s32 s2, s17  }
0x8e: {  	[smem:$0x3FB3] =	sst s2  }
0x8f: {  	_ = 	snop  }
0x90: {  	s18 =	sld [smem:$0x3FD0];
	(tm) =	ssettm $0x1  }
0x91: {  	s19 =	sld [smem:$0x3FFB];
	_ =	sdelay $0x3  }
0x92: {  	_ =	strace s19  }
0x93: {  	s2 =	sld [smem:$0x3FFC];
	_ =	sdelay $0x3  }
0x94: {  	_ =	strace s2  }
0x95: {  	s2 =	sld [smem:$0x3FFD];
	_ =	sdelay $0x3  }
0x96: {  	_ =	strace s2  }
0x97: {  	_ =	strace $0x8FFFFFFF  }
0x98: {  	s20 =	sld [smem:$0x3FDB];
	_ =	sdelay $0x1  }
0x99: {  	s4 =	simm.s32 $_scs_section_size  }
0x9a: {  	s5 =	simm.s32 $_size__tile_overlayer_lowered;
	s6 =	simm.s32 $_tile_overlayer_lowered  }
0x9b: {  	s7 =	simm.s32 $0x1BFF;
	s21 =	sshll.u32 s6, $0x1;
	s4 =	sadd.s32 s4, s20  }
0x9c: {  	s22 =	simm.s32 $0x0;
	s5 =	sshll.u32 s5, $0x1;
	s6 =	sadd.s32 s21, s4  }
0x9d: {  	[timem:s22], [sflag:s7] =	dma.local [hbm:s6], s5  }
0x9e: {  	_ =	swait.ge [sflag:s7], s5  }
0x9f: {  	s5 =	ssub.s32 $0x0, s5;
	[sflag:s7] =	ssyncset.done $0x0  }
0xa0: {  	[sflag:s7] =	ssyncadd.s32 s5;
	_ =	sdelay $0x1  }
0xa1: {  	s23 =	simm.s32 $0x1B8B  }
0xa2: {  	_ =	swait.ge [sflag:s23], $0x1  }
0xa3: {  	[sflag:s23] =	ssyncset.done $0x0  }
0xa4: {  	[sflag:s23] =	ssyncadd.s32 $0xFFFFFFFF  }
0xa5: {  	s5 =	sld [smem:$0x0]  }
0xa6: {  	s6 =	sand.u32 $0xFFFFFFFE, s1  }
0xa7: {  	p0 =	sne.s32 s1, s6  }
0xa8: {  	s6 =	sshll.u32 @p0 s6, $0xE  }
0xa9: {  	s6 =	sadd.s32 @p0 $0x11B8D, s6;
	s7 =	sshll.u32 @p0 s5, $0x11  }
0xaa: {  	s6 =	sor.u32 @p0 s7, s6  }
0xab: {  	[sflag:s6] =	ssyncadd.remote.s32 @p0 $0x1;
	_ =	sdelay $0x1  }
0xac: {  	s6 =	simm.s32 @p0 $0x1B8D  }
0xad: {  	_ =	swait.eq @p0 [sflag:s6], $0x1  }
0xae: {  	[sflag:s6] =	ssyncadd.s32 @p0 $0xFFFFFFFF  }
0xaf: {  	s7 =	sshll.u32 @!p0 s1, $0xE  }
0xb0: {  	s7 =	sor.u32 @!p0 $0x4000, s7;
	s6 =	simm.s32 @!p0 $0x1B8D  }
0xb1: {  	s5 =	sshll.u32 @!p0 s5, $0x11;
	s7 =	sadd.s32 @!p0 $0x11B8D, s7;
	_ =	swait.eq @!p0 [sflag:s6], $0x1  }
0xb2: {  	s5 =	sor.u32 @!p0 s5, s7;
	[sflag:s6] =	ssyncadd.s32 @!p0 $0xFFFFFFFF  }
0xb3: {  	s25 =	simm.s32 $0x1B8E;
	s24 =	sld [smem:$0x3FFE];
	[sflag:s5] =	ssyncadd.remote.s32 @!p0 $0x1  }
0xb4: {  	s26 =	simm.s32 $execute0_lowered;
	[smem:$0x3FD2] =	sst s25  }
0xb5: {  	s6 =	sshll.u32 s26, $0x1;
	_ =	strace $0x80000049;
	[dreg:$0x1] =	wrdreg $0xFFFFFFFF  }
0xb6: {  	s28 =	simm.s32 $_size_execute0_lowered;
	s4 =	sadd.s32 s4, s6;
	[dreg:$0x0] =	wrdreg $0x0  }
0xb7: {  	s6 =	sshll.u32 s28, $0x1;
	[dreg:$0x2] =	wrdreg s4  }
0xb8: {  	[dreg:$0x3] =	wrdreg s6  }
0xb9: {  	[dreg:$0x4] =	wrdreg $0xC0  }
0xba: {  	_ =	task [dreg:s22], $0x5FFFF  }
0xbb: {  	[dreg:$0x1] =	wrdreg $0xFFFFFFFF  }
0xbc: {  	[dreg:$0x0] =	wrdreg $0x60  }
0xbd: {  	[dreg:$0x2] =	wrdreg s18  }
0xbe: {  	[dreg:$0x3] =	wrdreg s24  }
0xbf: {  	[dreg:$0x4] =	wrdreg $0x9  }
0xc0: {  	_ =	task.clear_ibuf [dreg:s22], $0x5FFFF;
	_ =	strace $0x90000049  }
0xc1: {  	s29 =	simm.s32 $0x9;
	_ =	strace $0x8000004B  }
0xc2: {  	_ =	swait.ge [sflag:s29], $0x1  }
0xc3: {  	[sflag:s29] =	ssyncadd.s32 $0xFFFFFFFF  }
0xc4: {  	_ =	strace $0x9000004B  }
0xc5: {  	_ =	sfence  }
0xc6: {  	s30 =	sld [smem:$0x0];
	_ =	sdelay $0x2  }
0xc7: {  	s31 =	sshll.u32 s1, $0xD;
	s1 =	sshrl.u32 s1, $0x2  }
0xc8: {  	s4 =	sand.u32 $0x4000, s31;
	s1 =	sadd.s32 s1, s30  }
0xc9: {  	s0 =	sor.u32 s4, s0;
	s1 =	sshll.u32 s1, $0x11  }
0xca: {  	s0 =	sor.u32 s1, s0  }
0xcb: {  	s0 =	sadd.s32 $0x8F2B, s0  }
0xcc: {  	[sflag:s0] =	ssyncadd.remote.s32 $0x1  }
0xcd: {  	_ =	sfence.sel $0xFFFF  }
0xce: {  	[dreg:$0x0] =	wrdreg $0xFFFFFFFF;
	(pc) =	sbr.abs _section_cstart, $3  }
0xcf: {  	[dreg:$0x1] =	wrdreg $0xFFFFFFFF  }
0xd0: {  	_ =	task.clear_ibuf [dreg:s22], $0x2FFFF;
	_ =	strace $0x9FFFFFFF  }
0xd1: {  	(tm) =	ssettm $0x7FFFFFFF  }
tec
execute0_lowered:
.L_overlay_start_1:
0x0: {  	(tag) =	ssettag $0x1  }
0x1: {  	s0 =	srdreg.scid  }
0x2: {  	s1 =	sshll.u32 s0, $0x4  }
0x3: {  	s0 =	stileid.u32;
	s1 =	sand.u32 $0x10, s1  }
0x4: {  	s2 =	sor.u32 s0, s1  }
0x5: {  	s3 =	smin.u32 s2, $0x10  }
0x6: {  	s1 =	sshrl.u32 s1, $0x4;
	s2 =	sadd.s32 s2, s3  }
0x7: {  	s1 =	ssub.s32 s2, s1  }
0x8: {  	s1 =	smul.u32 $0x30, s1;
	_ =	sdelay $0x1  }
0x9: {  	s2 =	smul.u32 $0x30, s2;
	s1 =	sadd.s32 $0x60, s1  }
0xa: {  	s3 =	smin.u32 s1, $0x900  }
0xb: {  	s7 =	ssub.s32 s3, s2  }
0xc: {  	p0 =	sgt.s32 s7, $0x0  }
0xd: {  	s7 =	simm.s32 @!p0 $0x0  }
0xe: {  	s4 =	rddreg [dreg:$0x0];
	s31 =	smul.u32 $0xAAAB, s7  }
0xf: {  	s9 =	rddreg [dreg:$0x1];
	s6 =	simm.s32 $0x1  }
0x10: {  	s11 =	simm.s32 $0x3;
	s13 =	simm.s32 $0x0;
	s8 =	sshrl.u32 s31, $0x15  }
0x11: {  	s12 =	simm.s32 $0x0;
	s5 =	sadd.s32 $0x3400, s9;
	s10 =	smul.u32 $0x30, s8  }
.Ltmp0:
0x12: {  	s9 =	sadd.s32 $0x15600, s9;
	s1 =	rddreg [dreg:$0x2];
	(pc) =	sbr.rel .LBB2_1-.Ltmp0, $4  }
0x13: {  	_ =	strace $0x8000004A;
	p0 =	sne.s32 s7, s10;
	s10 =	simm.s32 $0x1  }
0x14: {  	[sflag:s6] =	ssyncpa.u1 $0x0;
	s7 =	simm.s32 $0x2;
	s10 =	simm.s32 @!p0 $0x0  }
0x15: {  	[sflag:s7] =	ssyncpa.u1 $0x0;
	p0 =	por $0x0, $0x0;
	s8 =	sadd.s32 s8, s10  }
0x16: {  	vm0 =	vmmov $0xff;
	vm1 =	vcmask $0x3F20;
	[sflag:s11] =	ssyncpa.u1 $0x0;
	s11 =	smov.u32 s2;
	s10 =	sadd.s32 $0x1, s8  }
.LBB2_9:
0x17: {  	s13 =	sadd.s32 $0x30, s11  }
0x18: {  	s15 =	smov.u32 s2;
	p2 =	slt.s32 s13, s3  }
0x19: {  	s15 =	smov.u32 @p2 s13;
	p2 =	sne.s32 s12, s10  }
.Ltmp1:
0x1a: {  	p1 =	slt.u32 s12, $0x2;
	(pc) =	sbr.rel @!p2 .LBB2_10-.Ltmp1, $4  }
0x1b: {  	s14 =	simm.s32 @!p1 $0x3  }
0x1c: {  	s16 =	sadd.s32 $0x1, s12;
	_ =	swait.ge @!p1 [sflag:s14], $0xF000  }
0x1d: {  	p0 =	por !p0, !p0;
	s13 =	smov.u32 s11;
	[sflag:s14] =	ssyncset.done @!p1 $0x0  }
0x1e: {  	s12 =	smov.u32 s16;
	s11 =	smov.u32 s15;
	[sflag:s14] =	ssyncadd.s32 @!p1 $0xFFFF1000  }
.LBB2_1:
0x1f: {  	p1 =	sge.u32 s12, s8  }
0x20: {  	s14 =	sxor.u32 @!p1 $0xFFFFFFFF, s12  }
0x21: {  	s14 =	sand.u32 @!p1 $0x1, s14  }
0x22: {  	s14 =	smul.u32 @!p1 $0xC0, s14  }
0x23: {  	s31 =	sadd.s32 $0xFFFFFFFF, s12;
	s15 =	sshrl.u32 @!p1 s11, $0x3  }
0x24: {  	s16 =	sand.u32 @!p1 $0x7, s11;
	s15 =	sadd.s32 @!p1 s5, s15;
	s14 =	sshrl.u32 @!p1 s14, $0x2  }
0x25: {  	[tilespmem:s14], [sflag:$0x2] =	stream.linear.gather @!p1 [hbm4b:s15+s16], $0x30, $0x38;
	[tilespmem:$0x1E060] =	vst v63  }
0x26: {  	p1 =	sge.u32 s31, s8  }
.Ltmp2:
0x27: {  	_ = 	snop;
	(pc) =	sbr.rel @p1 .LBB2_9-.Ltmp2, $1  }
0x28: {  	_ =	sdelay $0x3  }
0x29: {  	s14 =	simm.s32 $0x1  }
0x2a: {  	s14 =	simm.s32 @!p0 $0x0  }
0x2b: {  	s14 =	smul.u32 $0x3C000, s14  }
0x2c: {  	s15 =	sand.u32 $0x1, s12  }
0x2d: {  	_ =	swait.ge [sflag:s7], $0x30;
	s15 =	smul.u32 $0xC0, s15;
	s14 =	sshrl.u32 s14, $0x2  }
0x2e: {  	s16 =	simm.s32 $0x0;
	[sflag:s7] =	ssyncset.done $0x0;
	s14 =	sor.u32 $0x60, s14  }
0x2f: {  	[sflag:s7] =	ssyncadd.s32 $0xFFFFFFD0;
	s15 =	sshrl.u32 s15, $0x2;
	s17 =	smov.u32 s14  }
.LBB2_3:
0x30: {  	s18 =	sshll.u32 s16, $0x4  }
0x31: {  	s18 =	sand.u32 $0x3FFFFFF0, s18  }
0x32: {  	s18 =	sadd.s32 s18, s15  }
0x33: {  	v0 =	vld.msk [tilespmem:s18+$0x0 ss:$0x1], $0xffff;
	_ =	sdelay $0x4  }
0x34: {  	vm2 =	vgt.s32 v0, $0x0  }
0x35: {  	v0 =	vnsel vm2, $0x0, v0  }
0x36: {  	v0 =	vmin.u32 v0, $0x8FF  }
0x37: {  	v1 =	vshrl.u32 v0, $0x3  }
0x38: {  	v0 =	vshll.u32 v0, $0x7;
	v1 =	vmul.u32 $0x2800, v1  }
0x39: {  	v0 =	vand.u32 $0x380, v0  }
0x3a: {  	v0 =	vor.u32 v0, v1  }
0x3b: {  	v0 =	vshrl.u32 v0, $0x3;
	_ =	sdelay $0x3  }
0x3c: {  	s19 =	sadd.s32 $0x0, s17  }
0x3d: {  	[tilespmem:s19], [sflag:$0x1] =	stream.indirect_vreg.gather [hbm:s4], $0x80, v0, vm0, $0x38;
	[tilespmem:$0x1E060] =	vst v63  }
0x3e: {  	s18 =	simm.s32 $0x1000;
	v1 =	vadd.s32 $0x80, v0;
	s19 =	sadd.s32 $0x2800, s19  }
.LBB2_4:
0x3f: {  	[tilespmem:s19], [sflag:$0x1] =	stream.indirect_vreg.gather [hbm:s4], $0x80, v0, vm1, $0x38;
	[tilespmem:$0x1E060] =	vst v63  }
0x40: {  	v0 =	vmov v1;
	s19 =	smov.u32 s18;
	p1 =	sne.s32 s18, $0x9000  }
.Ltmp3:
0x41: {  	s18 =	sadd.s32 $0x1000, s18;
	(pc) =	sbr.rel @p1 .LBB2_4-.Ltmp3, $4  }
0x42: {  	s19 =	sshra.s32 s19, $0x2  }
0x43: {  	s19 =	sadd.s32 s19, s17  }
0x44: {  	[tilespmem:s19], [sflag:$0x1] =	stream.indirect_vreg.gather [hbm:s4], $0x80, v1, vm0, $0x38;
	[tilespmem:$0x1E060] =	vst v63  }
0x45: {  	s19 =	sadd.s32 $0x2800, s19;
	v1 =	vadd.s32 $0x80, v1  }
0x46: {  	s16 =	sadd.s32 $0x1, s16  }
0x47: {  	p1 =	sne.s32 s16, $0x3  }
.Ltmp4:
0x48: {  	_ = 	snop;
	(pc) =	sbr.rel @p1 .LBB2_3-.Ltmp4, $3  }
0x49: {  	_ =	sdelay $0x1  }
0x4a: {  	[tilespmem:s19], [sflag:$0x1] =	stream.indirect_vreg.gather [hbm:s4], $0x80, v0, vm1, $0x38;
	[tilespmem:$0x1E060] =	vst v63  }
0x4b: {  	s17 =	sadd.s32 $0x5000, s17  }
0x4c: {  	s15 =	sshrl.u32 s13, $0x3  }
0x4d: {  	s15 =	smul.u32 $0x500, s15  }
0x4e: {  	s31 =	sshll.u32 s13, $0x4  }
0x4f: {  	_ =	swait.ge [sflag:s6], $0xF000;
	s13 =	sand.u32 $0x70, s31;
	s15 =	sadd.s32 s15, s9  }
0x50: {  	s16 =	sadd.s32 $0x2800, s14;
	[sflag:s6] =	ssyncset.done $0x0;
	s13 =	sadd.s32 s13, s15  }
0x51: {  	[sflag:s6] =	ssyncadd.s32 $0xFFFF1000;
	s15 =	simm.s32 $0x500;
	s17 =	sadd.s32 $0x0, s13  }
.LBB2_7:
0x52: {  	[hbm:s17] =	stream.linear.scatter [tilespmem:s14], [sflag:$0x3], $0x2800, $0x38;
	[tilespmem:$0x1E060] =	vst v63  }
0x53: {  	s17 =	smov.u32 s15;
	s14 =	smov.u32 s16;
	p1 =	sne.s32 s15, $0x1900  }
.Ltmp5:
0x54: {  	s15 =	sadd.s32 $0x500, s15;
	(pc) =	sbr.rel @p1 .LBB2_7-.Ltmp5, $2  }
0x55: {  	_ =	sdelay $0x2  }
0x56: {  	s16 =	sadd.s32 $0x2800, s16;
	s17 =	sadd.s32 s17, s13  }
.Ltmp6:
0x57: {  	(pc) =	sbr.rel .LBB2_9-.Ltmp6, $2  }
0x58: {  	_ =	sdelay $0x2  }
0x59: {  	[hbm:s17] =	stream.linear.scatter [tilespmem:s14], [sflag:$0x3], $0x2800, $0x38;
	[tilespmem:$0x1E060] =	vst v63  }
.LBB2_10:
0x5a: {  	_ =	sfence.sel $0x180000  }
0x5b: {  	s2 =	simm.s32 $0x2;
	[bflag:$0x0] =	sbarrier.arrive $0xFFFF  }
0x5c: {  	s30 =	simm.s32 $0x3;
	[sflag:s2] =	ssyncpa.u1 $0x1  }
0x5d: {  	s31 =	simm.s32 $0x1;
	[sflag:s30] =	ssyncpa.u1 $0x1  }
0x5e: {  	[sflag:s31] =	ssyncpa.u1 $0x1  }
0x5f: {  	p0 =	sne.s32 s0, $0x0;
	_ =	strace $0x9000004A  }
0x60: {  	s0 =	sadd.s32 @!p0 $0x100000, s1;
	[bflag:$0x2] =	sbarrier.arrive $0xFFFF  }
0x61: {  	[sflag:s0] =	ssyncadd.tile.s32 @!p0 $0x1;
	_ =	shalt  }
.Lfunc_end2:
_tile_overlayer_lowered:
.L_overlay_start_2:
0x62: {  	(tag) =	ssettag $0x2  }
0x63: {  	s0 =	rddreg [dreg:$0x0];
	s2 =	stileid.u32  }
0x64: {  	s1 =	rddreg [dreg:$0x1];
	p0 =	sne.s32 s2, $0x0  }
0x65: {  	s3 =	rddreg [dreg:$0x2];
	[bflag:$0x3] =	sbarrier.arrive $0xFFFF;
	s2 =	simm.s32 @!p0 $0x1C01  }
0x66: {  	[timem:s3], [sflag:s2] =	dma.local @!p0 [hbm:s0], s1  }
0x67: {  	s0 =	simm.s32 @!p0 $0x1  }
0x68: {  	_ =	swait.ge @!p0 [sflag:s0], s1  }
0x69: {  	s1 =	ssub.s32 @!p0 $0x0, s1;
	[sflag:s0] =	ssyncset.done @!p0 $0x0  }
0x6a: {  	[sflag:s0] =	ssyncadd.s32 @!p0 s1  }
0x6b: {  	[bflag:$0x3] =	sbarrier.arrive $0xFFFF  }
0x6c: {  	_ =	shalt  }

</sc_bundles>
